<compile_context>
chip_gen: v7x
topology: tpu7x:2x2x1
jax: 0.10.2.dev20260603
libtpu: 0.0.44.dev20260713+nightly
codegen_flags: <defaults>
</compile_context>

<pallas_src>
import jax
import jax.numpy as jnp
from jax import lax
from jax.experimental import pallas as pl
from jax.experimental.pallas import tpu as pltpu
from jax.experimental.pallas import tpu_sc as plsc

_NUM_CORES = 2
_NUM_SUBCORES = 16
_NUM_WORKERS = _NUM_CORES * _NUM_SUBCORES
_LANES = 16

_N_EDGES = 320000
_N_NODES = 10000
_D = 128
_B = 80
_EPW = _N_EDGES // _NUM_WORKERS
_NBLK = _EPW // _B
_ROWS_PER_TILE = 624


def _sc_body(z_hbm, src_hbm, dst_hbm, out_hbm,
             si0, si1, di0, di1, sr0, sr1, dr0, dr1, ob0, ob1, z_sh, tr0,
             sem_i0, sem_i1, sem_g0, sem_g1, sem_o0, sem_o1):
  sid = lax.axis_index("s")
  wid = lax.axis_index("c") * _NUM_SUBCORES + sid
  base = wid * _EPW

  si = (si0, si1)
  di = (di0, di1)
  sr = (sr0, sr1)
  dr = (dr0, dr1)
  ob = (ob0, ob1)
  sem_i = (sem_i0, sem_i1)
  sem_g = (sem_g0, sem_g1)
  sem_o = (sem_o0, sem_o1)

  r0 = sid * _ROWS_PER_TILE
  pltpu.sync_copy(z_hbm.at[pl.ds(r0, _ROWS_PER_TILE)],
                  z_sh.at[pl.ds(r0, _ROWS_PER_TILE)])
  rem0 = _NUM_SUBCORES * _ROWS_PER_TILE

  @pl.when(sid == 0)
  def _():
    pltpu.sync_copy(z_hbm.at[pl.ds(rem0, _N_NODES - rem0)],
                    z_sh.at[pl.ds(rem0, _N_NODES - rem0)])

  plsc.subcore_barrier()

  def start_idx(blk, p):
    off = base + blk * _B
    pltpu.async_copy(src_hbm.at[pl.ds(off, _B)], si[p], sem_i[p])
    pltpu.async_copy(dst_hbm.at[pl.ds(off, _B)], di[p], sem_i[p])

  def wait_idx(p):
    pltpu.make_async_copy(src_hbm.at[pl.ds(0, _B)], si[p], sem_i[p]).wait()
    pltpu.make_async_copy(dst_hbm.at[pl.ds(0, _B)], di[p], sem_i[p]).wait()

  def start_gather(p):
    pltpu.async_copy(z_sh.at[si[p]], sr[p], sem_g[p])
    pltpu.async_copy(z_sh.at[di[p]], dr[p], sem_g[p])

  def wait_gather(p):
    pltpu.make_async_copy(z_sh.at[si[p]], sr[p], sem_g[p]).wait()
    pltpu.make_async_copy(z_sh.at[di[p]], dr[p], sem_g[p]).wait()

  def start_out(blk, p):
    pltpu.async_copy(ob[p], out_hbm.at[pl.ds(base + blk * _B, _B)], sem_o[p])

  def wait_out(p):
    pltpu.make_async_copy(ob[p], out_hbm.at[pl.ds(0, _B)], sem_o[p]).wait()

  def compute(p, tr0):
    s_rows = sr[p]
    d_rows = dr[p]
    lane = lax.iota(jnp.int32, _LANES)

    def grp_body(g, carry2):
      e0 = g * _LANES

      @plsc.parallel_loop(e0, e0 + _LANES, unroll=2)
      def _(j):
        acc = (s_rows[j, pl.ds(0, _LANES)] * d_rows[j, pl.ds(0, _LANES)])
        for k in range(1, _D // _LANES):
          acc = acc + (s_rows[j, pl.ds(k * _LANES, _LANES)]
                       * d_rows[j, pl.ds(k * _LANES, _LANES)])
        tr0[j - e0, pl.ds(0, _LANES)] = acc
      u = [plsc.load_gather(tr0, [lane, jnp.full((_LANES,), k, jnp.int32)])
           for k in range(_LANES)]
      while len(u) > 1:
        u = [u[i2] + u[i2 + 1] for i2 in range(0, len(u), 2)]
      ob[p][pl.ds(e0, _LANES)] = 1.0 / (1.0 + jnp.exp(-u[0]))
      return carry2

    lax.fori_loop(0, _B // _LANES, grp_body, 0)

  start_idx(0, 0)
  start_idx(1, 1)
  wait_idx(0)
  start_gather(0)

  def it_body(i, carry):
    for p in range(2):
      blk = 2 * i + p

      @pl.when(blk < _NBLK)
      def _():
        wait_gather(p)

        @pl.when(blk + 2 < _NBLK)
        def _():
          start_idx(blk + 2, p)

        @pl.when(blk + 1 < _NBLK)
        def _():
          wait_idx(1 - p)
          start_gather(1 - p)

        @pl.when(blk >= 2)
        def _():
          wait_out(p)

        compute(p, tr0)
        start_out(blk, p)

    return carry

  lax.fori_loop(0, (_NBLK + 1) // 2, it_body, 0)

  wait_out((_NBLK - 2) % 2)
  wait_out((_NBLK - 1) % 2)


@jax.jit
def _decode(z, src, dst):
  mesh = plsc.VectorSubcoreMesh(
      core_axis_name="c", subcore_axis_name="s",
      num_cores=_NUM_CORES, num_subcores=_NUM_SUBCORES)
  return pl.kernel(
      _sc_body,
      out_type=jax.ShapeDtypeStruct((_N_EDGES,), jnp.float32),
      mesh=mesh,
      compiler_params=pltpu.CompilerParams(needs_layout_passes=False),
      scratch_types=[
          pltpu.VMEM((_B,), jnp.int32),
          pltpu.VMEM((_B,), jnp.int32),
          pltpu.VMEM((_B,), jnp.int32),
          pltpu.VMEM((_B,), jnp.int32),
          pltpu.VMEM((_B, _D), jnp.float32),
          pltpu.VMEM((_B, _D), jnp.float32),
          pltpu.VMEM((_B, _D), jnp.float32),
          pltpu.VMEM((_B, _D), jnp.float32),
          pltpu.VMEM((_B,), jnp.float32),
          pltpu.VMEM((_B,), jnp.float32),
          pltpu.VMEM_SHARED((_N_NODES, _D), jnp.float32),
          pltpu.VMEM((_LANES, _LANES + 1), jnp.float32),
          pltpu.SemaphoreType.DMA,
          pltpu.SemaphoreType.DMA,
          pltpu.SemaphoreType.DMA,
          pltpu.SemaphoreType.DMA,
          pltpu.SemaphoreType.DMA,
          pltpu.SemaphoreType.DMA,
      ],
  )(z, src, dst)


def kernel(z, edge_index):
  src = edge_index[0]
  dst = edge_index[1]
  return _decode(z, src, dst)

# --- scband reference (transcript-rebuilt; emitter-appended) ---
"""Pipeline reference for scband-inner-product-decoder-26328149525297 (READ-ONLY COPY).

The authoritative reference and input builder live on the scoring server;
editing this copy changes nothing except your own understanding.
"""

import jax, jax.numpy as jnp
import numpy as np


def setup_inputs(seed: int = 0) -> dict:
    key = jax.random.key(seed)
    k1, k2 = jax.random.split(key)
    z = jax.random.normal(k1, (10000, 128), dtype=jnp.float32)
    edge_index = jax.random.randint(k2, (2, 320000), 0, 10000, dtype=jnp.int64 if jax.config.jax_enable_x64 else jnp.int32).astype(jnp.int32)
    return {"z": z, "edge_index": edge_index}


def reference(z, edge_index):
    # value = (z[edge_index[0, :]] * z[edge_index[1, :]]).sum(dim=1); sigmoid(value)
    src = jnp.take(z, edge_index[0, :], axis=0)
    dst = jnp.take(z, edge_index[1, :], axis=0)
    value = jnp.sum(src * dst, axis=1)
    return jax.nn.sigmoid(value)

if __name__ == "__main__":
    import jax
    _d = setup_inputs()
    print(jax.jit(kernel)(*tuple(_d.values())))

</pallas_src>

<mosaic_0001>
#map = affine_map<(d0, d1) -> (0, 0)>
#map1 = affine_map<(d0, d1) -> (0)>
module attributes {stable_mosaic.version = 14 : i64} {
  func.func @_sc_body(%arg0: i32, %arg1: i32, %arg2: memref<10000x128xf32, #tpu.memory_space<hbm>>, %arg3: memref<320000xi32, #tpu.memory_space<hbm>>, %arg4: memref<320000xi32, #tpu.memory_space<hbm>>, %arg5: memref<320000xf32, #tpu.memory_space<hbm>>, %arg6: memref<80xi32, #tpu.memory_space<vmem>>, %arg7: memref<80xi32, #tpu.memory_space<vmem>>, %arg8: memref<80xi32, #tpu.memory_space<vmem>>, %arg9: memref<80xi32, #tpu.memory_space<vmem>>, %arg10: memref<80x128xf32, #tpu.memory_space<vmem>>, %arg11: memref<80x128xf32, #tpu.memory_space<vmem>>, %arg12: memref<80x128xf32, #tpu.memory_space<vmem>>, %arg13: memref<80x128xf32, #tpu.memory_space<vmem>>, %arg14: memref<80xf32, #tpu.memory_space<vmem>>, %arg15: memref<80xf32, #tpu.memory_space<vmem>>, %arg16: memref<10000x128xf32, #tpu.memory_space<vmem_shared>>, %arg17: memref<16x17xf32, #tpu.memory_space<vmem>>, %arg18: memref<!tpu.dma_semaphore, #tpu.memory_space<semaphore_mem>>, %arg19: memref<!tpu.dma_semaphore, #tpu.memory_space<semaphore_mem>>, %arg20: memref<!tpu.dma_semaphore, #tpu.memory_space<semaphore_mem>>, %arg21: memref<!tpu.dma_semaphore, #tpu.memory_space<semaphore_mem>>, %arg22: memref<!tpu.dma_semaphore, #tpu.memory_space<semaphore_mem>>, %arg23: memref<!tpu.dma_semaphore, #tpu.memory_space<semaphore_mem>>) attributes {dimension_semantics = [#tpu.dimension_semantics<core_parallel>, #tpu.dimension_semantics<subcore_parallel>], iteration_bounds = array<i64: 2, 16>, scalar_prefetch = 0 : i64, scratch_operands = 18 : i64, tpu.core_type = #tpu.core_type<sc_vector_subcore>, window_params = [{transform_indices = #map}, {transform_indices = #map1}, {transform_indices = #map1}, {transform_indices = #map1}]} {
    %mul3A = arith.constant 16 : i32
    %mul3A_0 = arith.muli %arg0, %mul3A : i32
    %add3A = arith.addi %mul3A_0, %arg1 : i32
    %mul3A_1 = arith.constant 10000 : i32
    %mul3A_2 = arith.muli %add3A, %mul3A_1 : i32
    %mul3A_3 = arith.constant 624 : i32
    %mul3A_4 = arith.muli %arg1, %mul3A_3 : i32
    "tpu.region"() ({
      %run_scoped3A = tpu.sem_alloc : memref<!tpu.dma_semaphore, #tpu.memory_space<semaphore_mem>>
      %dma_start3A_44 = arith.constant 0 : i32
      %dma_start3A_45 = tpu.memref_slice %arg16[%mul3A_4, %dma_start3A_44] : memref<10000x128xf32, #tpu.memory_space<vmem_shared>> -> memref<624x128xf32, #tpu.memory_space<vmem_shared>>
      %dma_start3A_46 = arith.constant 0 : i32
      %dma_start3A_47 = tpu.memref_slice %arg2[%mul3A_4, %dma_start3A_46] : memref<10000x128xf32, #tpu.memory_space<hbm>> -> memref<624x128xf32, #tpu.memory_space<hbm>>
      tpu.enqueue_dma source(%dma_start3A_47 : memref<624x128xf32, #tpu.memory_space<hbm>>) target(%dma_start3A_45 : memref<624x128xf32, #tpu.memory_space<vmem_shared>>) target_semaphore(%run_scoped3A : memref<!tpu.dma_semaphore, #tpu.memory_space<semaphore_mem>>)
      %dma_wait3A_48 = arith.constant 0 : i32
      %dma_wait3A_49 = tpu.memref_slice %arg16[%mul3A_4, %dma_wait3A_48] : memref<10000x128xf32, #tpu.memory_space<vmem_shared>> -> memref<624x128xf32, #tpu.memory_space<vmem_shared>>
      %dma_wait3A_50 = arith.constant 0 : i32
      %dma_wait3A_51 = tpu.memref_slice %arg2[%mul3A_4, %dma_wait3A_50] : memref<10000x128xf32, #tpu.memory_space<hbm>> -> memref<624x128xf32, #tpu.memory_space<hbm>>
      tpu.wait_dma2 semaphore(%run_scoped3A : memref<!tpu.dma_semaphore, #tpu.memory_space<semaphore_mem>>) src(%dma_wait3A_51 : memref<624x128xf32, #tpu.memory_space<hbm>>) dst(%dma_wait3A_49 : memref<624x128xf32, #tpu.memory_space<vmem_shared>>)
      tpu.yield
    }) : () -> ()
    %eq3A = arith.constant 0 : i32
    %eq3A_5 = arith.cmpi eq, %arg1, %eq3A : i32
    %convert_element_type3A = arith.extui %eq3A_5 : i1 to i32
    %cond3A = arith.constant 0 : i32
    %cond3A_6 = arith.cmpi ne, %convert_element_type3A, %cond3A : i32
    scf.if %cond3A_6 {
      "tpu.region"() ({
        %run_scoped3A = tpu.sem_alloc : memref<!tpu.dma_semaphore, #tpu.memory_space<semaphore_mem>>
        %dma_start3A_44 = arith.constant 9984 : i32
        %dma_start3A_45 = arith.constant 0 : i32
        %dma_start3A_46 = tpu.memref_slice %arg16[%dma_start3A_44, %dma_start3A_45] : memref<10000x128xf32, #tpu.memory_space<vmem_shared>> -> memref<16x128xf32, #tpu.memory_space<vmem_shared>>
        %dma_start3A_47 = arith.constant 9984 : i32
        %dma_start3A_48 = arith.constant 0 : i32
        %dma_start3A_49 = tpu.memref_slice %arg2[%dma_start3A_47, %dma_start3A_48] : memref<10000x128xf32, #tpu.memory_space<hbm>> -> memref<16x128xf32, #tpu.memory_space<hbm>>
        tpu.enqueue_dma source(%dma_start3A_49 : memref<16x128xf32, #tpu.memory_space<hbm>>) target(%dma_start3A_46 : memref<16x128xf32, #tpu.memory_space<vmem_shared>>) target_semaphore(%run_scoped3A : memref<!tpu.dma_semaphore, #tpu.memory_space<semaphore_mem>>)
        %dma_wait3A_50 = arith.constant 9984 : i32
        %dma_wait3A_51 = arith.constant 0 : i32
        %dma_wait3A_52 = tpu.memref_slice %arg16[%dma_wait3A_50, %dma_wait3A_51] : memref<10000x128xf32, #tpu.memory_space<vmem_shared>> -> memref<16x128xf32, #tpu.memory_space<vmem_shared>>
        %dma_wait3A_53 = arith.constant 9984 : i32
        %dma_wait3A_54 = arith.constant 0 : i32
        %dma_wait3A_55 = tpu.memref_slice %arg2[%dma_wait3A_53, %dma_wait3A_54] : memref<10000x128xf32, #tpu.memory_space<hbm>> -> memref<16x128xf32, #tpu.memory_space<hbm>>
        tpu.wait_dma2 semaphore(%run_scoped3A : memref<!tpu.dma_semaphore, #tpu.memory_space<semaphore_mem>>) src(%dma_wait3A_55 : memref<16x128xf32, #tpu.memory_space<hbm>>) dst(%dma_wait3A_52 : memref<16x128xf32, #tpu.memory_space<vmem_shared>>)
        tpu.yield
      }) : () -> ()
    } else {
    }
    %barrier3A = arith.constant 0 : index
    tpu.barrier barrier_id(%barrier3A)
    %add3A_7 = arith.constant 0 : i32
    %add3A_8 = arith.addi %mul3A_2, %add3A_7 : i32
    %dma_start3A = tpu.memref_slice %arg3[%add3A_8] : memref<320000xi32, #tpu.memory_space<hbm>> -> memref<80xi32, #tpu.memory_space<hbm>>
    %dma_start3A_9 = tpu.memref_slice %arg3[%add3A_8] : memref<320000xi32, #tpu.memory_space<hbm>> -> memref<80xi32, #tpu.memory_space<hbm>>
    tpu.enqueue_dma source(%dma_start3A_9 : memref<80xi32, #tpu.memory_space<hbm>>) target(%arg6 : memref<80xi32, #tpu.memory_space<vmem>>) target_semaphore(%arg18 : memref<!tpu.dma_semaphore, #tpu.memory_space<semaphore_mem>>)
    %dma_start3A_10 = tpu.memref_slice %arg4[%add3A_8] : memref<320000xi32, #tpu.memory_space<hbm>> -> memref<80xi32, #tpu.memory_space<hbm>>
    %dma_start3A_11 = tpu.memref_slice %arg4[%add3A_8] : memref<320000xi32, #tpu.memory_space<hbm>> -> memref<80xi32, #tpu.memory_space<hbm>>
    tpu.enqueue_dma source(%dma_start3A_11 : memref<80xi32, #tpu.memory_space<hbm>>) target(%arg8 : memref<80xi32, #tpu.memory_space<vmem>>) target_semaphore(%arg18 : memref<!tpu.dma_semaphore, #tpu.memory_space<semaphore_mem>>)
    %add3A_12 = arith.constant 80 : i32
    %add3A_13 = arith.addi %mul3A_2, %add3A_12 : i32
    %dma_start3A_14 = tpu.memref_slice %arg3[%add3A_13] : memref<320000xi32, #tpu.memory_space<hbm>> -> memref<80xi32, #tpu.memory_space<hbm>>
    %dma_start3A_15 = tpu.memref_slice %arg3[%add3A_13] : memref<320000xi32, #tpu.memory_space<hbm>> -> memref<80xi32, #tpu.memory_space<hbm>>
    tpu.enqueue_dma source(%dma_start3A_15 : memref<80xi32, #tpu.memory_space<hbm>>) target(%arg7 : memref<80xi32, #tpu.memory_space<vmem>>) target_semaphore(%arg19 : memref<!tpu.dma_semaphore, #tpu.memory_space<semaphore_mem>>)
    %dma_start3A_16 = tpu.memref_slice %arg4[%add3A_13] : memref<320000xi32, #tpu.memory_space<hbm>> -> memref<80xi32, #tpu.memory_space<hbm>>
    %dma_start3A_17 = tpu.memref_slice %arg4[%add3A_13] : memref<320000xi32, #tpu.memory_space<hbm>> -> memref<80xi32, #tpu.memory_space<hbm>>
    tpu.enqueue_dma source(%dma_start3A_17 : memref<80xi32, #tpu.memory_space<hbm>>) target(%arg9 : memref<80xi32, #tpu.memory_space<vmem>>) target_semaphore(%arg19 : memref<!tpu.dma_semaphore, #tpu.memory_space<semaphore_mem>>)
    %dma_wait3A = arith.constant 0 : i32
    %dma_wait3A_18 = tpu.memref_slice %arg3[%dma_wait3A] : memref<320000xi32, #tpu.memory_space<hbm>> -> memref<80xi32, #tpu.memory_space<hbm>>
    %dma_wait3A_19 = arith.constant 0 : i32
    %dma_wait3A_20 = tpu.memref_slice %arg3[%dma_wait3A_19] : memref<320000xi32, #tpu.memory_space<hbm>> -> memref<80xi32, #tpu.memory_space<hbm>>
    tpu.wait_dma2 semaphore(%arg18 : memref<!tpu.dma_semaphore, #tpu.memory_space<semaphore_mem>>) src(%dma_wait3A_20 : memref<80xi32, #tpu.memory_space<hbm>>) dst(%arg6 : memref<80xi32, #tpu.memory_space<vmem>>)
    %dma_wait3A_21 = arith.constant 0 : i32
    %dma_wait3A_22 = tpu.memref_slice %arg4[%dma_wait3A_21] : memref<320000xi32, #tpu.memory_space<hbm>> -> memref<80xi32, #tpu.memory_space<hbm>>
    %dma_wait3A_23 = arith.constant 0 : i32
    %dma_wait3A_24 = tpu.memref_slice %arg4[%dma_wait3A_23] : memref<320000xi32, #tpu.memory_space<hbm>> -> memref<80xi32, #tpu.memory_space<hbm>>
    tpu.wait_dma2 semaphore(%arg18 : memref<!tpu.dma_semaphore, #tpu.memory_space<semaphore_mem>>) src(%dma_wait3A_24 : memref<80xi32, #tpu.memory_space<hbm>>) dst(%arg8 : memref<80xi32, #tpu.memory_space<vmem>>)
    %dma_start3A_25 = arith.constant 0 : i32
    %dma_start3A_26 = arith.constant 0 : i32
    %dma_start3A_27 = tpu.memref_slice %arg16[%dma_start3A_25, %dma_start3A_26] : memref<10000x128xf32, #tpu.memory_space<vmem_shared>> -> memref<10000x128xf32, #tpu.memory_space<vmem_shared>>
    tpu.enqueue_indirect_dma source(%dma_start3A_27 : memref<10000x128xf32, #tpu.memory_space<vmem_shared>>) target(%arg10 : memref<80x128xf32, #tpu.memory_space<vmem>>) offsets(%arg6 : memref<80xi32, #tpu.memory_space<vmem>>) semaphore(%arg20 : memref<!tpu.dma_semaphore, #tpu.memory_space<semaphore_mem>>)
    %dma_start3A_28 = arith.constant 0 : i32
    %dma_start3A_29 = arith.constant 0 : i32
    %dma_start3A_30 = tpu.memref_slice %arg16[%dma_start3A_28, %dma_start3A_29] : memref<10000x128xf32, #tpu.memory_space<vmem_shared>> -> memref<10000x128xf32, #tpu.memory_space<vmem_shared>>
    tpu.enqueue_indirect_dma source(%dma_start3A_30 : memref<10000x128xf32, #tpu.memory_space<vmem_shared>>) target(%arg12 : memref<80x128xf32, #tpu.memory_space<vmem>>) offsets(%arg8 : memref<80xi32, #tpu.memory_space<vmem>>) semaphore(%arg20 : memref<!tpu.dma_semaphore, #tpu.memory_space<semaphore_mem>>)
    %scan3A = arith.constant 0 : i32
    %scan3A_31 = arith.constant 0 : i32
    %scan3A_32 = arith.constant 63 : i32
    %scan3A_33 = arith.addi %scan3A_31, %scan3A_32 : i32
    %scan3A_34 = arith.constant 1 : i32
    scf.for %scan3A_44 = %scan3A_31 to %scan3A_33 step %scan3A_34  : i32 {
      %mul3A_45 = arith.constant 2 : i32
      %mul3A_46 = arith.muli %mul3A_45, %scan3A_44 : i32
      %add3A_47 = arith.constant 0 : i32
      %add3A_48 = arith.addi %mul3A_46, %add3A_47 : i32
      %lt3A = arith.constant 125 : i32
      %lt3A_49 = arith.cmpi slt, %add3A_48, %lt3A : i32
      %convert_element_type3A_50 = arith.extui %lt3A_49 : i1 to i32
      %cond3A_51 = arith.constant 0 : i32
      %cond3A_52 = arith.cmpi ne, %convert_element_type3A_50, %cond3A_51 : i32
      scf.if %cond3A_52 {
        %dma_wait3A_62 = arith.constant 0 : i32
        %dma_wait3A_63 = arith.constant 0 : i32
        %dma_wait3A_64 = tpu.memref_slice %arg16[%dma_wait3A_62, %dma_wait3A_63] : memref<10000x128xf32, #tpu.memory_space<vmem_shared>> -> memref<10000x128xf32, #tpu.memory_space<vmem_shared>>
        tpu.wait_indirect_dma semaphore(%arg20 : memref<!tpu.dma_semaphore, #tpu.memory_space<semaphore_mem>>) src(%dma_wait3A_64 : memref<10000x128xf32, #tpu.memory_space<vmem_shared>>) dst(%arg10 : memref<80x128xf32, #tpu.memory_space<vmem>>)
        %dma_wait3A_65 = arith.constant 0 : i32
        %dma_wait3A_66 = arith.constant 0 : i32
        %dma_wait3A_67 = tpu.memref_slice %arg16[%dma_wait3A_65, %dma_wait3A_66] : memref<10000x128xf32, #tpu.memory_space<vmem_shared>> -> memref<10000x128xf32, #tpu.memory_space<vmem_shared>>
        tpu.wait_indirect_dma semaphore(%arg20 : memref<!tpu.dma_semaphore, #tpu.memory_space<semaphore_mem>>) src(%dma_wait3A_67 : memref<10000x128xf32, #tpu.memory_space<vmem_shared>>) dst(%arg12 : memref<80x128xf32, #tpu.memory_space<vmem>>)
        %add3A_68 = arith.constant 2 : i32
        %add3A_69 = arith.addi %add3A_48, %add3A_68 : i32
        %lt3A_70 = arith.constant 125 : i32
        %lt3A_71 = arith.cmpi slt, %add3A_69, %lt3A_70 : i32
        %convert_element_type3A_72 = arith.extui %lt3A_71 : i1 to i32
        %cond3A_73 = arith.constant 0 : i32
        %cond3A_74 = arith.cmpi ne, %convert_element_type3A_72, %cond3A_73 : i32
        scf.if %cond3A_74 {
          %add3A_97 = arith.constant 2 : i32
          %add3A_98 = arith.addi %add3A_48, %add3A_97 : i32
          %mul3A_99 = arith.constant 80 : i32
          %mul3A_100 = arith.muli %add3A_98, %mul3A_99 : i32
          %add3A_101 = arith.addi %mul3A_2, %mul3A_100 : i32
          %dma_start3A_102 = tpu.memref_slice %arg3[%add3A_101] : memref<320000xi32, #tpu.memory_space<hbm>> -> memref<80xi32, #tpu.memory_space<hbm>>
          %dma_start3A_103 = tpu.memref_slice %arg3[%add3A_101] : memref<320000xi32, #tpu.memory_space<hbm>> -> memref<80xi32, #tpu.memory_space<hbm>>
          tpu.enqueue_dma source(%dma_start3A_103 : memref<80xi32, #tpu.memory_space<hbm>>) target(%arg6 : memref<80xi32, #tpu.memory_space<vmem>>) target_semaphore(%arg18 : memref<!tpu.dma_semaphore, #tpu.memory_space<semaphore_mem>>)
          %dma_start3A_104 = tpu.memref_slice %arg4[%add3A_101] : memref<320000xi32, #tpu.memory_space<hbm>> -> memref<80xi32, #tpu.memory_space<hbm>>
          %dma_start3A_105 = tpu.memref_slice %arg4[%add3A_101] : memref<320000xi32, #tpu.memory_space<hbm>> -> memref<80xi32, #tpu.memory_space<hbm>>
          tpu.enqueue_dma source(%dma_start3A_105 : memref<80xi32, #tpu.memory_space<hbm>>) target(%arg8 : memref<80xi32, #tpu.memory_space<vmem>>) target_semaphore(%arg18 : memref<!tpu.dma_semaphore, #tpu.memory_space<semaphore_mem>>)
        } else {
        }
        %add3A_75 = arith.constant 1 : i32
        %add3A_76 = arith.addi %add3A_48, %add3A_75 : i32
        %lt3A_77 = arith.constant 125 : i32
        %lt3A_78 = arith.cmpi slt, %add3A_76, %lt3A_77 : i32
        %convert_element_type3A_79 = arith.extui %lt3A_78 : i1 to i32
        %cond3A_80 = arith.constant 0 : i32
        %cond3A_81 = arith.cmpi ne, %convert_element_type3A_79, %cond3A_80 : i32
        scf.if %cond3A_81 {
          %dma_wait3A_97 = arith.constant 0 : i32
          %dma_wait3A_98 = tpu.memref_slice %arg3[%dma_wait3A_97] : memref<320000xi32, #tpu.memory_space<hbm>> -> memref<80xi32, #tpu.memory_space<hbm>>
          %dma_wait3A_99 = arith.constant 0 : i32
          %dma_wait3A_100 = tpu.memref_slice %arg3[%dma_wait3A_99] : memref<320000xi32, #tpu.memory_space<hbm>> -> memref<80xi32, #tpu.memory_space<hbm>>
          tpu.wait_dma2 semaphore(%arg19 : memref<!tpu.dma_semaphore, #tpu.memory_space<semaphore_mem>>) src(%dma_wait3A_100 : memref<80xi32, #tpu.memory_space<hbm>>) dst(%arg7 : memref<80xi32, #tpu.memory_space<vmem>>)
          %dma_wait3A_101 = arith.constant 0 : i32
          %dma_wait3A_102 = tpu.memref_slice %arg4[%dma_wait3A_101] : memref<320000xi32, #tpu.memory_space<hbm>> -> memref<80xi32, #tpu.memory_space<hbm>>
          %dma_wait3A_103 = arith.constant 0 : i32
          %dma_wait3A_104 = tpu.memref_slice %arg4[%dma_wait3A_103] : memref<320000xi32, #tpu.memory_space<hbm>> -> memref<80xi32, #tpu.memory_space<hbm>>
          tpu.wait_dma2 semaphore(%arg19 : memref<!tpu.dma_semaphore, #tpu.memory_space<semaphore_mem>>) src(%dma_wait3A_104 : memref<80xi32, #tpu.memory_space<hbm>>) dst(%arg9 : memref<80xi32, #tpu.memory_space<vmem>>)
          %dma_start3A_105 = arith.constant 0 : i32
          %dma_start3A_106 = arith.constant 0 : i32
          %dma_start3A_107 = tpu.memref_slice %arg16[%dma_start3A_105, %dma_start3A_106] : memref<10000x128xf32, #tpu.memory_space<vmem_shared>> -> memref<10000x128xf32, #tpu.memory_space<vmem_shared>>
          tpu.enqueue_indirect_dma source(%dma_start3A_107 : memref<10000x128xf32, #tpu.memory_space<vmem_shared>>) target(%arg11 : memref<80x128xf32, #tpu.memory_space<vmem>>) offsets(%arg7 : memref<80xi32, #tpu.memory_space<vmem>>) semaphore(%arg21 : memref<!tpu.dma_semaphore, #tpu.memory_space<semaphore_mem>>)
          %dma_start3A_108 = arith.constant 0 : i32
          %dma_start3A_109 = arith.constant 0 : i32
          %dma_start3A_110 = tpu.memref_slice %arg16[%dma_start3A_108, %dma_start3A_109] : memref<10000x128xf32, #tpu.memory_space<vmem_shared>> -> memref<10000x128xf32, #tpu.memory_space<vmem_shared>>
          tpu.enqueue_indirect_dma source(%dma_start3A_110 : memref<10000x128xf32, #tpu.memory_space<vmem_shared>>) target(%arg13 : memref<80x128xf32, #tpu.memory_space<vmem>>) offsets(%arg9 : memref<80xi32, #tpu.memory_space<vmem>>) semaphore(%arg21 : memref<!tpu.dma_semaphore, #tpu.memory_space<semaphore_mem>>)
        } else {
        }
        %ge3A = arith.constant 2 : i32
        %ge3A_82 = arith.cmpi sge, %add3A_48, %ge3A : i32
        %convert_element_type3A_83 = arith.extui %ge3A_82 : i1 to i32
        %cond3A_84 = arith.constant 0 : i32
        %cond3A_85 = arith.cmpi ne, %convert_element_type3A_83, %cond3A_84 : i32
        scf.if %cond3A_85 {
          %dma_wait3A_97 = arith.constant 0 : i32
          %dma_wait3A_98 = tpu.memref_slice %arg5[%dma_wait3A_97] : memref<320000xf32, #tpu.memory_space<hbm>> -> memref<80xf32, #tpu.memory_space<hbm>>
          %dma_wait3A_99 = arith.constant 0 : i32
          %dma_wait3A_100 = tpu.memref_slice %arg5[%dma_wait3A_99] : memref<320000xf32, #tpu.memory_space<hbm>> -> memref<80xf32, #tpu.memory_space<hbm>>
          tpu.wait_dma2 semaphore(%arg22 : memref<!tpu.dma_semaphore, #tpu.memory_space<semaphore_mem>>) src(%arg14 : memref<80xf32, #tpu.memory_space<vmem>>) dst(%dma_wait3A_100 : memref<80xf32, #tpu.memory_space<hbm>>)
        } else {
        }
        %iota3A = tpu.iota {dimensions = array<i32: 0>} : vector<16xi32>
        %scan3A_86 = arith.constant 0 : i32
        %scan3A_87 = arith.constant 0 : i32
        %scan3A_88 = arith.constant 5 : i32
        %scan3A_89 = arith.addi %scan3A_87, %scan3A_88 : i32
        %scan3A_90 = arith.constant 1 : i32
        scf.for %scan3A_97 = %scan3A_87 to %scan3A_89 step %scan3A_90  : i32 {
          %mul3A_98 = arith.constant 16 : i32
          %mul3A_99 = arith.muli %scan3A_97, %mul3A_98 : i32
          %add3A_100 = arith.constant 16 : i32
          %add3A_101 = arith.addi %mul3A_99, %add3A_100 : i32
          %parallel_loop3A = arith.constant 1 : i32
          scf.for %parallel_loop3A_171 = %mul3A_99 to %add3A_101 step %parallel_loop3A  : i32 {
            %parallel_loop3A_172 = arith.index_cast %parallel_loop3A_171 : i32 to index
            %parallel_loop3A_173 = arith.constant 0 : index
            %parallel_loop3A_174 = tpu.vector_load %arg10[%parallel_loop3A_172, %parallel_loop3A_173] {strides = array<i32>} : memref<80x128xf32, #tpu.memory_space<vmem>>, vector<16xf32>,
            %parallel_loop3A_175 = arith.index_cast %parallel_loop3A_171 : i32 to index
            %parallel_loop3A_176 = arith.constant 0 : index
            %parallel_loop3A_177 = tpu.vector_load %arg12[%parallel_loop3A_175, %parallel_loop3A_176] {strides = array<i32>} : memref<80x128xf32, #tpu.memory_space<vmem>>, vector<16xf32>,
            %parallel_loop3A_178 = arith.mulf %parallel_loop3A_174, %parallel_loop3A_177 : vector<16xf32>
            %parallel_loop3A_179 = arith.index_cast %parallel_loop3A_171 : i32 to index
            %parallel_loop3A_180 = arith.constant 16 : index
            %parallel_loop3A_181 = tpu.vector_load %arg10[%parallel_loop3A_179, %parallel_loop3A_180] {strides = array<i32>} : memref<80x128xf32, #tpu.memory_space<vmem>>, vector<16xf32>,
            %parallel_loop3A_182 = arith.index_cast %parallel_loop3A_171 : i32 to index
            %parallel_loop3A_183 = arith.constant 16 : index
            %parallel_loop3A_184 = tpu.vector_load %arg12[%parallel_loop3A_182, %parallel_loop3A_183] {strides = array<i32>} : memref<80x128xf32, #tpu.memory_space<vmem>>, vector<16xf32>,
            %parallel_loop3A_185 = arith.mulf %parallel_loop3A_181, %parallel_loop3A_184 : vector<16xf32>
            %parallel_loop3A_186 = arith.addf %parallel_loop3A_178, %parallel_loop3A_185 : vector<16xf32>
            %parallel_loop3A_187 = arith.index_cast %parallel_loop3A_171 : i32 to index
            %parallel_loop3A_188 = arith.constant 32 : index
            %parallel_loop3A_189 = tpu.vector_load %arg10[%parallel_loop3A_187, %parallel_loop3A_188] {strides = array<i32>} : memref<80x128xf32, #tpu.memory_space<vmem>>, vector<16xf32>,
            %parallel_loop3A_190 = arith.index_cast %parallel_loop3A_171 : i32 to index
            %parallel_loop3A_191 = arith.constant 32 : index
            %parallel_loop3A_192 = tpu.vector_load %arg12[%parallel_loop3A_190, %parallel_loop3A_191] {strides = array<i32>} : memref<80x128xf32, #tpu.memory_space<vmem>>, vector<16xf32>,
            %parallel_loop3A_193 = arith.mulf %parallel_loop3A_189, %parallel_loop3A_192 : vector<16xf32>
            %parallel_loop3A_194 = arith.addf %parallel_loop3A_186, %parallel_loop3A_193 : vector<16xf32>
            %parallel_loop3A_195 = arith.index_cast %parallel_loop3A_171 : i32 to index
            %parallel_loop3A_196 = arith.constant 48 : index
            %parallel_loop3A_197 = tpu.vector_load %arg10[%parallel_loop3A_195, %parallel_loop3A_196] {strides = array<i32>} : memref<80x128xf32, #tpu.memory_space<vmem>>, vector<16xf32>,
            %parallel_loop3A_198 = arith.index_cast %parallel_loop3A_171 : i32 to index
            %parallel_loop3A_199 = arith.constant 48 : index
            %parallel_loop3A_200 = tpu.vector_load %arg12[%parallel_loop3A_198, %parallel_loop3A_199] {strides = array<i32>} : memref<80x128xf32, #tpu.memory_space<vmem>>, vector<16xf32>,
            %parallel_loop3A_201 = arith.mulf %parallel_loop3A_197, %parallel_loop3A_200 : vector<16xf32>
            %parallel_loop3A_202 = arith.addf %parallel_loop3A_194, %parallel_loop3A_201 : vector<16xf32>
            %parallel_loop3A_203 = arith.index_cast %parallel_loop3A_171 : i32 to index
            %parallel_loop3A_204 = arith.constant 64 : index
            %parallel_loop3A_205 = tpu.vector_load %arg10[%parallel_loop3A_203, %parallel_loop3A_204] {strides = array<i32>} : memref<80x128xf32, #tpu.memory_space<vmem>>, vector<16xf32>,
            %parallel_loop3A_206 = arith.index_cast %parallel_loop3A_171 : i32 to index
            %parallel_loop3A_207 = arith.constant 64 : index
            %parallel_loop3A_208 = tpu.vector_load %arg12[%parallel_loop3A_206, %parallel_loop3A_207] {strides = array<i32>} : memref<80x128xf32, #tpu.memory_space<vmem>>, vector<16xf32>,
            %parallel_loop3A_209 = arith.mulf %parallel_loop3A_205, %parallel_loop3A_208 : vector<16xf32>
            %parallel_loop3A_210 = arith.addf %parallel_loop3A_202, %parallel_loop3A_209 : vector<16xf32>
            %parallel_loop3A_211 = arith.index_cast %parallel_loop3A_171 : i32 to index
            %parallel_loop3A_212 = arith.constant 80 : index
            %parallel_loop3A_213 = tpu.vector_load %arg10[%parallel_loop3A_211, %parallel_loop3A_212] {strides = array<i32>} : memref<80x128xf32, #tpu.memory_space<vmem>>, vector<16xf32>,
            %parallel_loop3A_214 = arith.index_cast %parallel_loop3A_171 : i32 to index
            %parallel_loop3A_215 = arith.constant 80 : index
            %parallel_loop3A_216 = tpu.vector_load %arg12[%parallel_loop3A_214, %parallel_loop3A_215] {strides = array<i32>} : memref<80x128xf32, #tpu.memory_space<vmem>>, vector<16xf32>,
            %parallel_loop3A_217 = arith.mulf %parallel_loop3A_213, %parallel_loop3A_216 : vector<16xf32>
            %parallel_loop3A_218 = arith.addf %parallel_loop3A_210, %parallel_loop3A_217 : vector<16xf32>
            %parallel_loop3A_219 = arith.index_cast %parallel_loop3A_171 : i32 to index
            %parallel_loop3A_220 = arith.constant 96 : index
            %parallel_loop3A_221 = tpu.vector_load %arg10[%parallel_loop3A_219, %parallel_loop3A_220] {strides = array<i32>} : memref<80x128xf32, #tpu.memory_space<vmem>>, vector<16xf32>,
            %parallel_loop3A_222 = arith.index_cast %parallel_loop3A_171 : i32 to index
            %parallel_loop3A_223 = arith.constant 96 : index
            %parallel_loop3A_224 = tpu.vector_load %arg12[%parallel_loop3A_222, %parallel_loop3A_223] {strides = array<i32>} : memref<80x128xf32, #tpu.memory_space<vmem>>, vector<16xf32>,
            %parallel_loop3A_225 = arith.mulf %parallel_loop3A_221, %parallel_loop3A_224 : vector<16xf32>
            %parallel_loop3A_226 = arith.addf %parallel_loop3A_218, %parallel_loop3A_225 : vector<16xf32>
            %parallel_loop3A_227 = arith.index_cast %parallel_loop3A_171 : i32 to index
            %parallel_loop3A_228 = arith.constant 112 : index
            %parallel_loop3A_229 = tpu.vector_load %arg10[%parallel_loop3A_227, %parallel_loop3A_228] {strides = array<i32>} : memref<80x128xf32, #tpu.memory_space<vmem>>, vector<16xf32>,
            %parallel_loop3A_230 = arith.index_cast %parallel_loop3A_171 : i32 to index
            %parallel_loop3A_231 = arith.constant 112 : index
            %parallel_loop3A_232 = tpu.vector_load %arg12[%parallel_loop3A_230, %parallel_loop3A_231] {strides = array<i32>} : memref<80x128xf32, #tpu.memory_space<vmem>>, vector<16xf32>,
            %parallel_loop3A_233 = arith.mulf %parallel_loop3A_229, %parallel_loop3A_232 : vector<16xf32>
            %parallel_loop3A_234 = arith.addf %parallel_loop3A_226, %parallel_loop3A_233 : vector<16xf32>
            %parallel_loop3A_235 = arith.subi %parallel_loop3A_171, %mul3A_99 : i32
            %parallel_loop3A_236 = arith.index_cast %parallel_loop3A_235 : i32 to index
            %parallel_loop3A_237 = arith.constant 0 : index
            %parallel_loop3A_238 = tpu.vector_load %arg17[%parallel_loop3A_236, %parallel_loop3A_237] {strides = array<i32>} : memref<16x17xf32, #tpu.memory_space<vmem>>, vector<16xf32>,
            tpu.vector_store %arg17[%parallel_loop3A_236, %parallel_loop3A_237], %parallel_loop3A_234 {strides = array<i32>} : memref<16x17xf32, #tpu.memory_space<vmem>>, vector<16xf32>,
          } {sc.loop_unroll_factor = 2 : i64, sc.parallel_access}
          %broadcast_in_dim3A = arith.constant 0 : i32
          %broadcast_in_dim3A_102 = vector.broadcast %broadcast_in_dim3A : i32 to vector<16xi32>
          %gather3A = tpu.vector_load_idx %arg17[%iota3A, %broadcast_in_dim3A_102] : memref<16x17xf32, #tpu.memory_space<vmem>>[vector<16xi32>, vector<16xi32>], vector<16xf32>,
          %broadcast_in_dim3A_103 = arith.constant 1 : i32
          %broadcast_in_dim3A_104 = vector.broadcast %broadcast_in_dim3A_103 : i32 to vector<16xi32>
          %gather3A_105 = tpu.vector_load_idx %arg17[%iota3A, %broadcast_in_dim3A_104] : memref<16x17xf32, #tpu.memory_space<vmem>>[vector<16xi32>, vector<16xi32>], vector<16xf32>,
          %broadcast_in_dim3A_106 = arith.constant 2 : i32
          %broadcast_in_dim3A_107 = vector.broadcast %broadcast_in_dim3A_106 : i32 to vector<16xi32>
          %gather3A_108 = tpu.vector_load_idx %arg17[%iota3A, %broadcast_in_dim3A_107] : memref<16x17xf32, #tpu.memory_space<vmem>>[vector<16xi32>, vector<16xi32>], vector<16xf32>,
          %broadcast_in_dim3A_109 = arith.constant 3 : i32
          %broadcast_in_dim3A_110 = vector.broadcast %broadcast_in_dim3A_109 : i32 to vector<16xi32>
          %gather3A_111 = tpu.vector_load_idx %arg17[%iota3A, %broadcast_in_dim3A_110] : memref<16x17xf32, #tpu.memory_space<vmem>>[vector<16xi32>, vector<16xi32>], vector<16xf32>,
          %broadcast_in_dim3A_112 = arith.constant 4 : i32
          %broadcast_in_dim3A_113 = vector.broadcast %broadcast_in_dim3A_112 : i32 to vector<16xi32>
          %gather3A_114 = tpu.vector_load_idx %arg17[%iota3A, %broadcast_in_dim3A_113] : memref<16x17xf32, #tpu.memory_space<vmem>>[vector<16xi32>, vector<16xi32>], vector<16xf32>,
          %broadcast_in_dim3A_115 = arith.constant 5 : i32
          %broadcast_in_dim3A_116 = vector.broadcast %broadcast_in_dim3A_115 : i32 to vector<16xi32>
          %gather3A_117 = tpu.vector_load_idx %arg17[%iota3A, %broadcast_in_dim3A_116] : memref<16x17xf32, #tpu.memory_space<vmem>>[vector<16xi32>, vector<16xi32>], vector<16xf32>,
          %broadcast_in_dim3A_118 = arith.constant 6 : i32
          %broadcast_in_dim3A_119 = vector.broadcast %broadcast_in_dim3A_118 : i32 to vector<16xi32>
          %gather3A_120 = tpu.vector_load_idx %arg17[%iota3A, %broadcast_in_dim3A_119] : memref<16x17xf32, #tpu.memory_space<vmem>>[vector<16xi32>, vector<16xi32>], vector<16xf32>,
          %broadcast_in_dim3A_121 = arith.constant 7 : i32
          %broadcast_in_dim3A_122 = vector.broadcast %broadcast_in_dim3A_121 : i32 to vector<16xi32>
          %gather3A_123 = tpu.vector_load_idx %arg17[%iota3A, %broadcast_in_dim3A_122] : memref<16x17xf32, #tpu.memory_space<vmem>>[vector<16xi32>, vector<16xi32>], vector<16xf32>,
          %broadcast_in_dim3A_124 = arith.constant 8 : i32
          %broadcast_in_dim3A_125 = vector.broadcast %broadcast_in_dim3A_124 : i32 to vector<16xi32>
          %gather3A_126 = tpu.vector_load_idx %arg17[%iota3A, %broadcast_in_dim3A_125] : memref<16x17xf32, #tpu.memory_space<vmem>>[vector<16xi32>, vector<16xi32>], vector<16xf32>,
          %broadcast_in_dim3A_127 = arith.constant 9 : i32
          %broadcast_in_dim3A_128 = vector.broadcast %broadcast_in_dim3A_127 : i32 to vector<16xi32>
          %gather3A_129 = tpu.vector_load_idx %arg17[%iota3A, %broadcast_in_dim3A_128] : memref<16x17xf32, #tpu.memory_space<vmem>>[vector<16xi32>, vector<16xi32>], vector<16xf32>,
          %broadcast_in_dim3A_130 = arith.constant 10 : i32
          %broadcast_in_dim3A_131 = vector.broadcast %broadcast_in_dim3A_130 : i32 to vector<16xi32>
          %gather3A_132 = tpu.vector_load_idx %arg17[%iota3A, %broadcast_in_dim3A_131] : memref<16x17xf32, #tpu.memory_space<vmem>>[vector<16xi32>, vector<16xi32>], vector<16xf32>,
          %broadcast_in_dim3A_133 = arith.constant 11 : i32
          %broadcast_in_dim3A_134 = vector.broadcast %broadcast_in_dim3A_133 : i32 to vector<16xi32>
          %gather3A_135 = tpu.vector_load_idx %arg17[%iota3A, %broadcast_in_dim3A_134] : memref<16x17xf32, #tpu.memory_space<vmem>>[vector<16xi32>, vector<16xi32>], vector<16xf32>,
          %broadcast_in_dim3A_136 = arith.constant 12 : i32
          %broadcast_in_dim3A_137 = vector.broadcast %broadcast_in_dim3A_136 : i32 to vector<16xi32>
          %gather3A_138 = tpu.vector_load_idx %arg17[%iota3A, %broadcast_in_dim3A_137] : memref<16x17xf32, #tpu.memory_space<vmem>>[vector<16xi32>, vector<16xi32>], vector<16xf32>,
          %broadcast_in_dim3A_139 = arith.constant 13 : i32
          %broadcast_in_dim3A_140 = vector.broadcast %broadcast_in_dim3A_139 : i32 to vector<16xi32>
          %gather3A_141 = tpu.vector_load_idx %arg17[%iota3A, %broadcast_in_dim3A_140] : memref<16x17xf32, #tpu.memory_space<vmem>>[vector<16xi32>, vector<16xi32>], vector<16xf32>,
          %broadcast_in_dim3A_142 = arith.constant 14 : i32
          %broadcast_in_dim3A_143 = vector.broadcast %broadcast_in_dim3A_142 : i32 to vector<16xi32>
          %gather3A_144 = tpu.vector_load_idx %arg17[%iota3A, %broadcast_in_dim3A_143] : memref<16x17xf32, #tpu.memory_space<vmem>>[vector<16xi32>, vector<16xi32>], vector<16xf32>,
          %broadcast_in_dim3A_145 = arith.constant 15 : i32
          %broadcast_in_dim3A_146 = vector.broadcast %broadcast_in_dim3A_145 : i32 to vector<16xi32>
          %gather3A_147 = tpu.vector_load_idx %arg17[%iota3A, %broadcast_in_dim3A_146] : memref<16x17xf32, #tpu.memory_space<vmem>>[vector<16xi32>, vector<16xi32>], vector<16xf32>,
          %add3A_148 = arith.addf %gather3A, %gather3A_105 : vector<16xf32>
          %add3A_149 = arith.addf %gather3A_108, %gather3A_111 : vector<16xf32>
          %add3A_150 = arith.addf %gather3A_114, %gather3A_117 : vector<16xf32>
          %add3A_151 = arith.addf %gather3A_120, %gather3A_123 : vector<16xf32>
          %add3A_152 = arith.addf %gather3A_126, %gather3A_129 : vector<16xf32>
          %add3A_153 = arith.addf %gather3A_132, %gather3A_135 : vector<16xf32>
          %add3A_154 = arith.addf %gather3A_138, %gather3A_141 : vector<16xf32>
          %add3A_155 = arith.addf %gather3A_144, %gather3A_147 : vector<16xf32>
          %add3A_156 = arith.addf %add3A_148, %add3A_149 : vector<16xf32>
          %add3A_157 = arith.addf %add3A_150, %add3A_151 : vector<16xf32>
          %add3A_158 = arith.addf %add3A_152, %add3A_153 : vector<16xf32>
          %add3A_159 = arith.addf %add3A_154, %add3A_155 : vector<16xf32>
          %add3A_160 = arith.addf %add3A_156, %add3A_157 : vector<16xf32>
          %add3A_161 = arith.addf %add3A_158, %add3A_159 : vector<16xf32>
          %add3A_162 = arith.addf %add3A_160, %add3A_161 : vector<16xf32>
          %neg3A = arith.constant 0.000000e+00 : f32
          %neg3A_163 = vector.broadcast %neg3A : f32 to vector<16xf32>
          %neg3A_164 = arith.subf %neg3A_163, %add3A_162 : vector<16xf32>
          %exp3A = math.exp %neg3A_164 : vector<16xf32>
          %add3A_165 = arith.constant 1.000000e+00 : f32
          %add3A_166 = vector.broadcast %add3A_165 : f32 to vector<16xf32>
          %add3A_167 = arith.addf %add3A_166, %exp3A : vector<16xf32>
          %div3A = arith.constant 1.000000e+00 : f32
          %div3A_168 = vector.broadcast %div3A : f32 to vector<16xf32>
          %div3A_169 = arith.divf %div3A_168, %add3A_167 : vector<16xf32>
          %swap3A = arith.index_cast %mul3A_99 : i32 to index
          %swap3A_170 = tpu.vector_load %arg14[%swap3A] {strides = array<i32>} : memref<80xf32, #tpu.memory_space<vmem>>, vector<16xf32>,
          tpu.vector_store %arg14[%swap3A], %div3A_169 {strides = array<i32>} : memref<80xf32, #tpu.memory_space<vmem>>, vector<16xf32>,
        }
        %scan3A_91 = arith.constant 5 : i32
        %mul3A_92 = arith.constant 80 : i32
        %mul3A_93 = arith.muli %add3A_48, %mul3A_92 : i32
        %add3A_94 = arith.addi %mul3A_2, %mul3A_93 : i32
        %dma_start3A_95 = tpu.memref_slice %arg5[%add3A_94] : memref<320000xf32, #tpu.memory_space<hbm>> -> memref<80xf32, #tpu.memory_space<hbm>>
        %dma_start3A_96 = tpu.memref_slice %arg5[%add3A_94] : memref<320000xf32, #tpu.memory_space<hbm>> -> memref<80xf32, #tpu.memory_space<hbm>>
        tpu.enqueue_dma source(%arg14 : memref<80xf32, #tpu.memory_space<vmem>>) target(%dma_start3A_96 : memref<80xf32, #tpu.memory_space<hbm>>) target_semaphore(%arg22 : memref<!tpu.dma_semaphore, #tpu.memory_space<semaphore_mem>>)
      } else {
      }
      %mul3A_53 = arith.constant 2 : i32
      %mul3A_54 = arith.muli %mul3A_53, %scan3A_44 : i32
      %add3A_55 = arith.constant 1 : i32
      %add3A_56 = arith.addi %mul3A_54, %add3A_55 : i32
      %lt3A_57 = arith.constant 125 : i32
      %lt3A_58 = arith.cmpi slt, %add3A_56, %lt3A_57 : i32
      %convert_element_type3A_59 = arith.extui %lt3A_58 : i1 to i32
      %cond3A_60 = arith.constant 0 : i32
      %cond3A_61 = arith.cmpi ne, %convert_element_type3A_59, %cond3A_60 : i32
      scf.if %cond3A_61 {
        %dma_wait3A_62 = arith.constant 0 : i32
        %dma_wait3A_63 = arith.constant 0 : i32
        %dma_wait3A_64 = tpu.memref_slice %arg16[%dma_wait3A_62, %dma_wait3A_63] : memref<10000x128xf32, #tpu.memory_space<vmem_shared>> -> memref<10000x128xf32, #tpu.memory_space<vmem_shared>>
        tpu.wait_indirect_dma semaphore(%arg21 : memref<!tpu.dma_semaphore, #tpu.memory_space<semaphore_mem>>) src(%dma_wait3A_64 : memref<10000x128xf32, #tpu.memory_space<vmem_shared>>) dst(%arg11 : memref<80x128xf32, #tpu.memory_space<vmem>>)
        %dma_wait3A_65 = arith.constant 0 : i32
        %dma_wait3A_66 = arith.constant 0 : i32
        %dma_wait3A_67 = tpu.memref_slice %arg16[%dma_wait3A_65, %dma_wait3A_66] : memref<10000x128xf32, #tpu.memory_space<vmem_shared>> -> memref<10000x128xf32, #tpu.memory_space<vmem_shared>>
        tpu.wait_indirect_dma semaphore(%arg21 : memref<!tpu.dma_semaphore, #tpu.memory_space<semaphore_mem>>) src(%dma_wait3A_67 : memref<10000x128xf32, #tpu.memory_space<vmem_shared>>) dst(%arg13 : memref<80x128xf32, #tpu.memory_space<vmem>>)
        %add3A_68 = arith.constant 2 : i32
        %add3A_69 = arith.addi %add3A_56, %add3A_68 : i32
        %lt3A_70 = arith.constant 125 : i32
        %lt3A_71 = arith.cmpi slt, %add3A_69, %lt3A_70 : i32
        %convert_element_type3A_72 = arith.extui %lt3A_71 : i1 to i32
        %cond3A_73 = arith.constant 0 : i32
        %cond3A_74 = arith.cmpi ne, %convert_element_type3A_72, %cond3A_73 : i32
        scf.if %cond3A_74 {
          %add3A_97 = arith.constant 2 : i32
          %add3A_98 = arith.addi %add3A_56, %add3A_97 : i32
          %mul3A_99 = arith.constant 80 : i32
          %mul3A_100 = arith.muli %add3A_98, %mul3A_99 : i32
          %add3A_101 = arith.addi %mul3A_2, %mul3A_100 : i32
          %dma_start3A_102 = tpu.memref_slice %arg3[%add3A_101] : memref<320000xi32, #tpu.memory_space<hbm>> -> memref<80xi32, #tpu.memory_space<hbm>>
          %dma_start3A_103 = tpu.memref_slice %arg3[%add3A_101] : memref<320000xi32, #tpu.memory_space<hbm>> -> memref<80xi32, #tpu.memory_space<hbm>>
          tpu.enqueue_dma source(%dma_start3A_103 : memref<80xi32, #tpu.memory_space<hbm>>) target(%arg7 : memref<80xi32, #tpu.memory_space<vmem>>) target_semaphore(%arg19 : memref<!tpu.dma_semaphore, #tpu.memory_space<semaphore_mem>>)
          %dma_start3A_104 = tpu.memref_slice %arg4[%add3A_101] : memref<320000xi32, #tpu.memory_space<hbm>> -> memref<80xi32, #tpu.memory_space<hbm>>
          %dma_start3A_105 = tpu.memref_slice %arg4[%add3A_101] : memref<320000xi32, #tpu.memory_space<hbm>> -> memref<80xi32, #tpu.memory_space<hbm>>
          tpu.enqueue_dma source(%dma_start3A_105 : memref<80xi32, #tpu.memory_space<hbm>>) target(%arg9 : memref<80xi32, #tpu.memory_space<vmem>>) target_semaphore(%arg19 : memref<!tpu.dma_semaphore, #tpu.memory_space<semaphore_mem>>)
        } else {
        }
        %add3A_75 = arith.constant 1 : i32
        %add3A_76 = arith.addi %add3A_56, %add3A_75 : i32
        %lt3A_77 = arith.constant 125 : i32
        %lt3A_78 = arith.cmpi slt, %add3A_76, %lt3A_77 : i32
        %convert_element_type3A_79 = arith.extui %lt3A_78 : i1 to i32
        %cond3A_80 = arith.constant 0 : i32
        %cond3A_81 = arith.cmpi ne, %convert_element_type3A_79, %cond3A_80 : i32
        scf.if %cond3A_81 {
          %dma_wait3A_97 = arith.constant 0 : i32
          %dma_wait3A_98 = tpu.memref_slice %arg3[%dma_wait3A_97] : memref<320000xi32, #tpu.memory_space<hbm>> -> memref<80xi32, #tpu.memory_space<hbm>>
          %dma_wait3A_99 = arith.constant 0 : i32
          %dma_wait3A_100 = tpu.memref_slice %arg3[%dma_wait3A_99] : memref<320000xi32, #tpu.memory_space<hbm>> -> memref<80xi32, #tpu.memory_space<hbm>>
          tpu.wait_dma2 semaphore(%arg18 : memref<!tpu.dma_semaphore, #tpu.memory_space<semaphore_mem>>) src(%dma_wait3A_100 : memref<80xi32, #tpu.memory_space<hbm>>) dst(%arg6 : memref<80xi32, #tpu.memory_space<vmem>>)
          %dma_wait3A_101 = arith.constant 0 : i32
          %dma_wait3A_102 = tpu.memref_slice %arg4[%dma_wait3A_101] : memref<320000xi32, #tpu.memory_space<hbm>> -> memref<80xi32, #tpu.memory_space<hbm>>
          %dma_wait3A_103 = arith.constant 0 : i32
          %dma_wait3A_104 = tpu.memref_slice %arg4[%dma_wait3A_103] : memref<320000xi32, #tpu.memory_space<hbm>> -> memref<80xi32, #tpu.memory_space<hbm>>
          tpu.wait_dma2 semaphore(%arg18 : memref<!tpu.dma_semaphore, #tpu.memory_space<semaphore_mem>>) src(%dma_wait3A_104 : memref<80xi32, #tpu.memory_space<hbm>>) dst(%arg8 : memref<80xi32, #tpu.memory_space<vmem>>)
          %dma_start3A_105 = arith.constant 0 : i32
          %dma_start3A_106 = arith.constant 0 : i32
          %dma_start3A_107 = tpu.memref_slice %arg16[%dma_start3A_105, %dma_start3A_106] : memref<10000x128xf32, #tpu.memory_space<vmem_shared>> -> memref<10000x128xf32, #tpu.memory_space<vmem_shared>>
          tpu.enqueue_indirect_dma source(%dma_start3A_107 : memref<10000x128xf32, #tpu.memory_space<vmem_shared>>) target(%arg10 : memref<80x128xf32, #tpu.memory_space<vmem>>) offsets(%arg6 : memref<80xi32, #tpu.memory_space<vmem>>) semaphore(%arg20 : memref<!tpu.dma_semaphore, #tpu.memory_space<semaphore_mem>>)
          %dma_start3A_108 = arith.constant 0 : i32
          %dma_start3A_109 = arith.constant 0 : i32
          %dma_start3A_110 = tpu.memref_slice %arg16[%dma_start3A_108, %dma_start3A_109] : memref<10000x128xf32, #tpu.memory_space<vmem_shared>> -> memref<10000x128xf32, #tpu.memory_space<vmem_shared>>
          tpu.enqueue_indirect_dma source(%dma_start3A_110 : memref<10000x128xf32, #tpu.memory_space<vmem_shared>>) target(%arg12 : memref<80x128xf32, #tpu.memory_space<vmem>>) offsets(%arg8 : memref<80xi32, #tpu.memory_space<vmem>>) semaphore(%arg20 : memref<!tpu.dma_semaphore, #tpu.memory_space<semaphore_mem>>)
        } else {
        }
        %ge3A = arith.constant 2 : i32
        %ge3A_82 = arith.cmpi sge, %add3A_56, %ge3A : i32
        %convert_element_type3A_83 = arith.extui %ge3A_82 : i1 to i32
        %cond3A_84 = arith.constant 0 : i32
        %cond3A_85 = arith.cmpi ne, %convert_element_type3A_83, %cond3A_84 : i32
        scf.if %cond3A_85 {
          %dma_wait3A_97 = arith.constant 0 : i32
          %dma_wait3A_98 = tpu.memref_slice %arg5[%dma_wait3A_97] : memref<320000xf32, #tpu.memory_space<hbm>> -> memref<80xf32, #tpu.memory_space<hbm>>
          %dma_wait3A_99 = arith.constant 0 : i32
          %dma_wait3A_100 = tpu.memref_slice %arg5[%dma_wait3A_99] : memref<320000xf32, #tpu.memory_space<hbm>> -> memref<80xf32, #tpu.memory_space<hbm>>
          tpu.wait_dma2 semaphore(%arg23 : memref<!tpu.dma_semaphore, #tpu.memory_space<semaphore_mem>>) src(%arg15 : memref<80xf32, #tpu.memory_space<vmem>>) dst(%dma_wait3A_100 : memref<80xf32, #tpu.memory_space<hbm>>)
        } else {
        }
        %iota3A = tpu.iota {dimensions = array<i32: 0>} : vector<16xi32>
        %scan3A_86 = arith.constant 0 : i32
        %scan3A_87 = arith.constant 0 : i32
        %scan3A_88 = arith.constant 5 : i32
        %scan3A_89 = arith.addi %scan3A_87, %scan3A_88 : i32
        %scan3A_90 = arith.constant 1 : i32
        scf.for %scan3A_97 = %scan3A_87 to %scan3A_89 step %scan3A_90  : i32 {
          %mul3A_98 = arith.constant 16 : i32
          %mul3A_99 = arith.muli %scan3A_97, %mul3A_98 : i32
          %add3A_100 = arith.constant 16 : i32
          %add3A_101 = arith.addi %mul3A_99, %add3A_100 : i32
          %parallel_loop3A = arith.constant 1 : i32
          scf.for %parallel_loop3A_171 = %mul3A_99 to %add3A_101 step %parallel_loop3A  : i32 {
            %parallel_loop3A_172 = arith.index_cast %parallel_loop3A_171 : i32 to index
            %parallel_loop3A_173 = arith.constant 0 : index
            %parallel_loop3A_174 = tpu.vector_load %arg11[%parallel_loop3A_172, %parallel_loop3A_173] {strides = array<i32>} : memref<80x128xf32, #tpu.memory_space<vmem>>, vector<16xf32>,
            %parallel_loop3A_175 = arith.index_cast %parallel_loop3A_171 : i32 to index
            %parallel_loop3A_176 = arith.constant 0 : index
            %parallel_loop3A_177 = tpu.vector_load %arg13[%parallel_loop3A_175, %parallel_loop3A_176] {strides = array<i32>} : memref<80x128xf32, #tpu.memory_space<vmem>>, vector<16xf32>,
            %parallel_loop3A_178 = arith.mulf %parallel_loop3A_174, %parallel_loop3A_177 : vector<16xf32>
            %parallel_loop3A_179 = arith.index_cast %parallel_loop3A_171 : i32 to index
            %parallel_loop3A_180 = arith.constant 16 : index
            %parallel_loop3A_181 = tpu.vector_load %arg11[%parallel_loop3A_179, %parallel_loop3A_180] {strides = array<i32>} : memref<80x128xf32, #tpu.memory_space<vmem>>, vector<16xf32>,
            %parallel_loop3A_182 = arith.index_cast %parallel_loop3A_171 : i32 to index
            %parallel_loop3A_183 = arith.constant 16 : index
            %parallel_loop3A_184 = tpu.vector_load %arg13[%parallel_loop3A_182, %parallel_loop3A_183] {strides = array<i32>} : memref<80x128xf32, #tpu.memory_space<vmem>>, vector<16xf32>,
            %parallel_loop3A_185 = arith.mulf %parallel_loop3A_181, %parallel_loop3A_184 : vector<16xf32>
            %parallel_loop3A_186 = arith.addf %parallel_loop3A_178, %parallel_loop3A_185 : vector<16xf32>
            %parallel_loop3A_187 = arith.index_cast %parallel_loop3A_171 : i32 to index
            %parallel_loop3A_188 = arith.constant 32 : index
            %parallel_loop3A_189 = tpu.vector_load %arg11[%parallel_loop3A_187, %parallel_loop3A_188] {strides = array<i32>} : memref<80x128xf32, #tpu.memory_space<vmem>>, vector<16xf32>,
            %parallel_loop3A_190 = arith.index_cast %parallel_loop3A_171 : i32 to index
            %parallel_loop3A_191 = arith.constant 32 : index
            %parallel_loop3A_192 = tpu.vector_load %arg13[%parallel_loop3A_190, %parallel_loop3A_191] {strides = array<i32>} : memref<80x128xf32, #tpu.memory_space<vmem>>, vector<16xf32>,
            %parallel_loop3A_193 = arith.mulf %parallel_loop3A_189, %parallel_loop3A_192 : vector<16xf32>
            %parallel_loop3A_194 = arith.addf %parallel_loop3A_186, %parallel_loop3A_193 : vector<16xf32>
            %parallel_loop3A_195 = arith.index_cast %parallel_loop3A_171 : i32 to index
            %parallel_loop3A_196 = arith.constant 48 : index
            %parallel_loop3A_197 = tpu.vector_load %arg11[%parallel_loop3A_195, %parallel_loop3A_196] {strides = array<i32>} : memref<80x128xf32, #tpu.memory_space<vmem>>, vector<16xf32>,
            %parallel_loop3A_198 = arith.index_cast %parallel_loop3A_171 : i32 to index
            %parallel_loop3A_199 = arith.constant 48 : index
            %parallel_loop3A_200 = tpu.vector_load %arg13[%parallel_loop3A_198, %parallel_loop3A_199] {strides = array<i32>} : memref<80x128xf32, #tpu.memory_space<vmem>>, vector<16xf32>,
            %parallel_loop3A_201 = arith.mulf %parallel_loop3A_197, %parallel_loop3A_200 : vector<16xf32>
            %parallel_loop3A_202 = arith.addf %parallel_loop3A_194, %parallel_loop3A_201 : vector<16xf32>
            %parallel_loop3A_203 = arith.index_cast %parallel_loop3A_171 : i32 to index
            %parallel_loop3A_204 = arith.constant 64 : index
            %parallel_loop3A_205 = tpu.vector_load %arg11[%parallel_loop3A_203, %parallel_loop3A_204] {strides = array<i32>} : memref<80x128xf32, #tpu.memory_space<vmem>>, vector<16xf32>,
            %parallel_loop3A_206 = arith.index_cast %parallel_loop3A_171 : i32 to index
            %parallel_loop3A_207 = arith.constant 64 : index
            %parallel_loop3A_208 = tpu.vector_load %arg13[%parallel_loop3A_206, %parallel_loop3A_207] {strides = array<i32>} : memref<80x128xf32, #tpu.memory_space<vmem>>, vector<16xf32>,
            %parallel_loop3A_209 = arith.mulf %parallel_loop3A_205, %parallel_loop3A_208 : vector<16xf32>
            %parallel_loop3A_210 = arith.addf %parallel_loop3A_202, %parallel_loop3A_209 : vector<16xf32>
            %parallel_loop3A_211 = arith.index_cast %parallel_loop3A_171 : i32 to index
            %parallel_loop3A_212 = arith.constant 80 : index
            %parallel_loop3A_213 = tpu.vector_load %arg11[%parallel_loop3A_211, %parallel_loop3A_212] {strides = array<i32>} : memref<80x128xf32, #tpu.memory_space<vmem>>, vector<16xf32>,
            %parallel_loop3A_214 = arith.index_cast %parallel_loop3A_171 : i32 to index
            %parallel_loop3A_215 = arith.constant 80 : index
            %parallel_loop3A_216 = tpu.vector_load %arg13[%parallel_loop3A_214, %parallel_loop3A_215] {strides = array<i32>} : memref<80x128xf32, #tpu.memory_space<vmem>>, vector<16xf32>,
            %parallel_loop3A_217 = arith.mulf %parallel_loop3A_213, %parallel_loop3A_216 : vector<16xf32>
            %parallel_loop3A_218 = arith.addf %parallel_loop3A_210, %parallel_loop3A_217 : vector<16xf32>
            %parallel_loop3A_219 = arith.index_cast %parallel_loop3A_171 : i32 to index
            %parallel_loop3A_220 = arith.constant 96 : index
            %parallel_loop3A_221 = tpu.vector_load %arg11[%parallel_loop3A_219, %parallel_loop3A_220] {strides = array<i32>} : memref<80x128xf32, #tpu.memory_space<vmem>>, vector<16xf32>,
            %parallel_loop3A_222 = arith.index_cast %parallel_loop3A_171 : i32 to index
            %parallel_loop3A_223 = arith.constant 96 : index
            %parallel_loop3A_224 = tpu.vector_load %arg13[%parallel_loop3A_222, %parallel_loop3A_223] {strides = array<i32>} : memref<80x128xf32, #tpu.memory_space<vmem>>, vector<16xf32>,
            %parallel_loop3A_225 = arith.mulf %parallel_loop3A_221, %parallel_loop3A_224 : vector<16xf32>
            %parallel_loop3A_226 = arith.addf %parallel_loop3A_218, %parallel_loop3A_225 : vector<16xf32>
            %parallel_loop3A_227 = arith.index_cast %parallel_loop3A_171 : i32 to index
            %parallel_loop3A_228 = arith.constant 112 : index
            %parallel_loop3A_229 = tpu.vector_load %arg11[%parallel_loop3A_227, %parallel_loop3A_228] {strides = array<i32>} : memref<80x128xf32, #tpu.memory_space<vmem>>, vector<16xf32>,
            %parallel_loop3A_230 = arith.index_cast %parallel_loop3A_171 : i32 to index
            %parallel_loop3A_231 = arith.constant 112 : index
            %parallel_loop3A_232 = tpu.vector_load %arg13[%parallel_loop3A_230, %parallel_loop3A_231] {strides = array<i32>} : memref<80x128xf32, #tpu.memory_space<vmem>>, vector<16xf32>,
            %parallel_loop3A_233 = arith.mulf %parallel_loop3A_229, %parallel_loop3A_232 : vector<16xf32>
            %parallel_loop3A_234 = arith.addf %parallel_loop3A_226, %parallel_loop3A_233 : vector<16xf32>
            %parallel_loop3A_235 = arith.subi %parallel_loop3A_171, %mul3A_99 : i32
            %parallel_loop3A_236 = arith.index_cast %parallel_loop3A_235 : i32 to index
            %parallel_loop3A_237 = arith.constant 0 : index
            %parallel_loop3A_238 = tpu.vector_load %arg17[%parallel_loop3A_236, %parallel_loop3A_237] {strides = array<i32>} : memref<16x17xf32, #tpu.memory_space<vmem>>, vector<16xf32>,
            tpu.vector_store %arg17[%parallel_loop3A_236, %parallel_loop3A_237], %parallel_loop3A_234 {strides = array<i32>} : memref<16x17xf32, #tpu.memory_space<vmem>>, vector<16xf32>,
          } {sc.loop_unroll_factor = 2 : i64, sc.parallel_access}
          %broadcast_in_dim3A = arith.constant 0 : i32
          %broadcast_in_dim3A_102 = vector.broadcast %broadcast_in_dim3A : i32 to vector<16xi32>
          %gather3A = tpu.vector_load_idx %arg17[%iota3A, %broadcast_in_dim3A_102] : memref<16x17xf32, #tpu.memory_space<vmem>>[vector<16xi32>, vector<16xi32>], vector<16xf32>,
          %broadcast_in_dim3A_103 = arith.constant 1 : i32
          %broadcast_in_dim3A_104 = vector.broadcast %broadcast_in_dim3A_103 : i32 to vector<16xi32>
          %gather3A_105 = tpu.vector_load_idx %arg17[%iota3A, %broadcast_in_dim3A_104] : memref<16x17xf32, #tpu.memory_space<vmem>>[vector<16xi32>, vector<16xi32>], vector<16xf32>,
          %broadcast_in_dim3A_106 = arith.constant 2 : i32
          %broadcast_in_dim3A_107 = vector.broadcast %broadcast_in_dim3A_106 : i32 to vector<16xi32>
          %gather3A_108 = tpu.vector_load_idx %arg17[%iota3A, %broadcast_in_dim3A_107] : memref<16x17xf32, #tpu.memory_space<vmem>>[vector<16xi32>, vector<16xi32>], vector<16xf32>,
          %broadcast_in_dim3A_109 = arith.constant 3 : i32
          %broadcast_in_dim3A_110 = vector.broadcast %broadcast_in_dim3A_109 : i32 to vector<16xi32>
          %gather3A_111 = tpu.vector_load_idx %arg17[%iota3A, %broadcast_in_dim3A_110] : memref<16x17xf32, #tpu.memory_space<vmem>>[vector<16xi32>, vector<16xi32>], vector<16xf32>,
          %broadcast_in_dim3A_112 = arith.constant 4 : i32
          %broadcast_in_dim3A_113 = vector.broadcast %broadcast_in_dim3A_112 : i32 to vector<16xi32>
          %gather3A_114 = tpu.vector_load_idx %arg17[%iota3A, %broadcast_in_dim3A_113] : memref<16x17xf32, #tpu.memory_space<vmem>>[vector<16xi32>, vector<16xi32>], vector<16xf32>,
          %broadcast_in_dim3A_115 = arith.constant 5 : i32
          %broadcast_in_dim3A_116 = vector.broadcast %broadcast_in_dim3A_115 : i32 to vector<16xi32>
          %gather3A_117 = tpu.vector_load_idx %arg17[%iota3A, %broadcast_in_dim3A_116] : memref<16x17xf32, #tpu.memory_space<vmem>>[vector<16xi32>, vector<16xi32>], vector<16xf32>,
          %broadcast_in_dim3A_118 = arith.constant 6 : i32
          %broadcast_in_dim3A_119 = vector.broadcast %broadcast_in_dim3A_118 : i32 to vector<16xi32>
          %gather3A_120 = tpu.vector_load_idx %arg17[%iota3A, %broadcast_in_dim3A_119] : memref<16x17xf32, #tpu.memory_space<vmem>>[vector<16xi32>, vector<16xi32>], vector<16xf32>,
          %broadcast_in_dim3A_121 = arith.constant 7 : i32
          %broadcast_in_dim3A_122 = vector.broadcast %broadcast_in_dim3A_121 : i32 to vector<16xi32>
          %gather3A_123 = tpu.vector_load_idx %arg17[%iota3A, %broadcast_in_dim3A_122] : memref<16x17xf32, #tpu.memory_space<vmem>>[vector<16xi32>, vector<16xi32>], vector<16xf32>,
          %broadcast_in_dim3A_124 = arith.constant 8 : i32
          %broadcast_in_dim3A_125 = vector.broadcast %broadcast_in_dim3A_124 : i32 to vector<16xi32>
          %gather3A_126 = tpu.vector_load_idx %arg17[%iota3A, %broadcast_in_dim3A_125] : memref<16x17xf32, #tpu.memory_space<vmem>>[vector<16xi32>, vector<16xi32>], vector<16xf32>,
          %broadcast_in_dim3A_127 = arith.constant 9 : i32
          %broadcast_in_dim3A_128 = vector.broadcast %broadcast_in_dim3A_127 : i32 to vector<16xi32>
          %gather3A_129 = tpu.vector_load_idx %arg17[%iota3A, %broadcast_in_dim3A_128] : memref<16x17xf32, #tpu.memory_space<vmem>>[vector<16xi32>, vector<16xi32>], vector<16xf32>,
          %broadcast_in_dim3A_130 = arith.constant 10 : i32
          %broadcast_in_dim3A_131 = vector.broadcast %broadcast_in_dim3A_130 : i32 to vector<16xi32>
          %gather3A_132 = tpu.vector_load_idx %arg17[%iota3A, %broadcast_in_dim3A_131] : memref<16x17xf32, #tpu.memory_space<vmem>>[vector<16xi32>, vector<16xi32>], vector<16xf32>,
          %broadcast_in_dim3A_133 = arith.constant 11 : i32
          %broadcast_in_dim3A_134 = vector.broadcast %broadcast_in_dim3A_133 : i32 to vector<16xi32>
          %gather3A_135 = tpu.vector_load_idx %arg17[%iota3A, %broadcast_in_dim3A_134] : memref<16x17xf32, #tpu.memory_space<vmem>>[vector<16xi32>, vector<16xi32>], vector<16xf32>,
          %broadcast_in_dim3A_136 = arith.constant 12 : i32
          %broadcast_in_dim3A_137 = vector.broadcast %broadcast_in_dim3A_136 : i32 to vector<16xi32>
          %gather3A_138 = tpu.vector_load_idx %arg17[%iota3A, %broadcast_in_dim3A_137] : memref<16x17xf32, #tpu.memory_space<vmem>>[vector<16xi32>, vector<16xi32>], vector<16xf32>,
          %broadcast_in_dim3A_139 = arith.constant 13 : i32
          %broadcast_in_dim3A_140 = vector.broadcast %broadcast_in_dim3A_139 : i32 to vector<16xi32>
          %gather3A_141 = tpu.vector_load_idx %arg17[%iota3A, %broadcast_in_dim3A_140] : memref<16x17xf32, #tpu.memory_space<vmem>>[vector<16xi32>, vector<16xi32>], vector<16xf32>,
          %broadcast_in_dim3A_142 = arith.constant 14 : i32
          %broadcast_in_dim3A_143 = vector.broadcast %broadcast_in_dim3A_142 : i32 to vector<16xi32>
          %gather3A_144 = tpu.vector_load_idx %arg17[%iota3A, %broadcast_in_dim3A_143] : memref<16x17xf32, #tpu.memory_space<vmem>>[vector<16xi32>, vector<16xi32>], vector<16xf32>,
          %broadcast_in_dim3A_145 = arith.constant 15 : i32
          %broadcast_in_dim3A_146 = vector.broadcast %broadcast_in_dim3A_145 : i32 to vector<16xi32>
          %gather3A_147 = tpu.vector_load_idx %arg17[%iota3A, %broadcast_in_dim3A_146] : memref<16x17xf32, #tpu.memory_space<vmem>>[vector<16xi32>, vector<16xi32>], vector<16xf32>,
          %add3A_148 = arith.addf %gather3A, %gather3A_105 : vector<16xf32>
          %add3A_149 = arith.addf %gather3A_108, %gather3A_111 : vector<16xf32>
          %add3A_150 = arith.addf %gather3A_114, %gather3A_117 : vector<16xf32>
          %add3A_151 = arith.addf %gather3A_120, %gather3A_123 : vector<16xf32>
          %add3A_152 = arith.addf %gather3A_126, %gather3A_129 : vector<16xf32>
          %add3A_153 = arith.addf %gather3A_132, %gather3A_135 : vector<16xf32>
          %add3A_154 = arith.addf %gather3A_138, %gather3A_141 : vector<16xf32>
          %add3A_155 = arith.addf %gather3A_144, %gather3A_147 : vector<16xf32>
          %add3A_156 = arith.addf %add3A_148, %add3A_149 : vector<16xf32>
          %add3A_157 = arith.addf %add3A_150, %add3A_151 : vector<16xf32>
          %add3A_158 = arith.addf %add3A_152, %add3A_153 : vector<16xf32>
          %add3A_159 = arith.addf %add3A_154, %add3A_155 : vector<16xf32>
          %add3A_160 = arith.addf %add3A_156, %add3A_157 : vector<16xf32>
          %add3A_161 = arith.addf %add3A_158, %add3A_159 : vector<16xf32>
          %add3A_162 = arith.addf %add3A_160, %add3A_161 : vector<16xf32>
          %neg3A = arith.constant 0.000000e+00 : f32
          %neg3A_163 = vector.broadcast %neg3A : f32 to vector<16xf32>
          %neg3A_164 = arith.subf %neg3A_163, %add3A_162 : vector<16xf32>
          %exp3A = math.exp %neg3A_164 : vector<16xf32>
          %add3A_165 = arith.constant 1.000000e+00 : f32
          %add3A_166 = vector.broadcast %add3A_165 : f32 to vector<16xf32>
          %add3A_167 = arith.addf %add3A_166, %exp3A : vector<16xf32>
          %div3A = arith.constant 1.000000e+00 : f32
          %div3A_168 = vector.broadcast %div3A : f32 to vector<16xf32>
          %div3A_169 = arith.divf %div3A_168, %add3A_167 : vector<16xf32>
          %swap3A = arith.index_cast %mul3A_99 : i32 to index
          %swap3A_170 = tpu.vector_load %arg15[%swap3A] {strides = array<i32>} : memref<80xf32, #tpu.memory_space<vmem>>, vector<16xf32>,
          tpu.vector_store %arg15[%swap3A], %div3A_169 {strides = array<i32>} : memref<80xf32, #tpu.memory_space<vmem>>, vector<16xf32>,
        }
        %scan3A_91 = arith.constant 5 : i32
        %mul3A_92 = arith.constant 80 : i32
        %mul3A_93 = arith.muli %add3A_56, %mul3A_92 : i32
        %add3A_94 = arith.addi %mul3A_2, %mul3A_93 : i32
        %dma_start3A_95 = tpu.memref_slice %arg5[%add3A_94] : memref<320000xf32, #tpu.memory_space<hbm>> -> memref<80xf32, #tpu.memory_space<hbm>>
        %dma_start3A_96 = tpu.memref_slice %arg5[%add3A_94] : memref<320000xf32, #tpu.memory_space<hbm>> -> memref<80xf32, #tpu.memory_space<hbm>>
        tpu.enqueue_dma source(%arg15 : memref<80xf32, #tpu.memory_space<vmem>>) target(%dma_start3A_96 : memref<80xf32, #tpu.memory_space<hbm>>) target_semaphore(%arg23 : memref<!tpu.dma_semaphore, #tpu.memory_space<semaphore_mem>>)
      } else {
      }
    }
    %scan3A_35 = arith.constant 63 : i32
    %dma_wait3A_36 = arith.constant 0 : i32
    %dma_wait3A_37 = tpu.memref_slice %arg5[%dma_wait3A_36] : memref<320000xf32, #tpu.memory_space<hbm>> -> memref<80xf32, #tpu.memory_space<hbm>>
    %dma_wait3A_38 = arith.constant 0 : i32
    %dma_wait3A_39 = tpu.memref_slice %arg5[%dma_wait3A_38] : memref<320000xf32, #tpu.memory_space<hbm>> -> memref<80xf32, #tpu.memory_space<hbm>>
    tpu.wait_dma2 semaphore(%arg23 : memref<!tpu.dma_semaphore, #tpu.memory_space<semaphore_mem>>) src(%arg15 : memref<80xf32, #tpu.memory_space<vmem>>) dst(%dma_wait3A_39 : memref<80xf32, #tpu.memory_space<hbm>>)
    %dma_wait3A_40 = arith.constant 0 : i32
    %dma_wait3A_41 = tpu.memref_slice %arg5[%dma_wait3A_40] : memref<320000xf32, #tpu.memory_space<hbm>> -> memref<80xf32, #tpu.memory_space<hbm>>
    %dma_wait3A_42 = arith.constant 0 : i32
    %dma_wait3A_43 = tpu.memref_slice %arg5[%dma_wait3A_42] : memref<320000xf32, #tpu.memory_space<hbm>> -> memref<80xf32, #tpu.memory_space<hbm>>
    tpu.wait_dma2 semaphore(%arg22 : memref<!tpu.dma_semaphore, #tpu.memory_space<semaphore_mem>>) src(%arg14 : memref<80xf32, #tpu.memory_space<vmem>>) dst(%dma_wait3A_43 : memref<80xf32, #tpu.memory_space<hbm>>)
    return
  }
}

</mosaic_0001>

<sc_bundles>
// kernel: _decode.3.cloned.1.call-start
scs
__scs_entry_jumppad:
0x0: {  	(pc) =	sbr.rel $0x88, $3  }
0x1: {  	(tag) =	ssettag $0x0;
	lr =	simm.s32 $0x1  }
0x2: {  	[smem:$0x3F9E] =	sst lr;
	_ =	strace $0xD0000000  }
0x3: {  	_ = 	snop  }
0x4: {  	_ = 	snop  }
0x5: {  	_ = 	snop  }
0x6: {  	_ = 	snop  }
0x7: {  	_ = 	snop  }
__scs_overlays_trampoline_lowered:
0x8: {  	[smem:$0x3FAD] =	sst s0  }
0x9: {  	[smem:$0x3FAE] =	sst s1  }
0xa: {  	[smem:$0x3FAF] =	sst s2  }
0xb: {  	[smem:$0x3FB0] =	sst s3  }
0xc: {  	[smem:$0x3FB1] =	sst s4  }
0xd: {  	[smem:$0x3FB2] =	sst s5  }
0xe: {  	[smem:$0x3FB3] =	sst s6  }
0xf: {  	[smem:$0x3FB4] =	sst s7  }
0x10: {  	[smem:$0x3FB5] =	sst s8  }
0x11: {  	[smem:$0x3FB6] =	sst s9;
	s0 =	simm.s32 @!p0 $0x0  }
0x12: {  	s1 =	sld [smem:$0x3F9C];
	s0 =	simm.s32 @p0 $0x1  }
0x13: {  	[smem:$0x3FB7] =	sst s0;
	s0 =	simm.s32 @!p1 $0x0  }
0x14: {  	s2 =	sld [smem:$0x3F9B];
	s0 =	simm.s32 @p1 $0x1  }
0x15: {  	[smem:$0x3FB8] =	sst s0;
	s0 =	simm.s32 @!p2 $0x0  }
0x16: {  	s3 =	sld [smem:$0x3FDB];
	s0 =	simm.s32 @p2 $0x1  }
0x17: {  	s4 =	simm.s32 $0x1BF5;
	[smem:$0x3FBA] =	sst s0  }
0x18: {  	s0 =	sld [smem:$0x3F9D];
	_ =	swait.ge [sflag:s4], $0x0  }
0x19: {  	s7 =	sld [smem:$0x3F9E]  }
0x1a: {  	s8 =	sadd.s32 $0xFFFFE003, lr  }
0x1b: {  	s9 =	sadd.s32 $0xFFFFFEF7, lr;
	s5 =	simm.s32 $0xFFFFFFFF;
	p2 =	slt.u32 s8, $0xFFFFF086  }
0x1c: {  	p1 =	slt.u32 s9, $0xF7A;
	s5 =	simm.s32 @!p2 $0x0  }
0x1d: {  	s5 =	simm.s32 @p1 $0x1;
	p0 =	seq.s32 s7, s2  }
0x1e: {  	s7 =	smul.u32 @!p0 $0xF7A, s2;
	p2 =	seq.s32 @!p0 s5, $0x0  }
0x1f: {  	s9 =	smul.u32 $0xF7A, s1;
	s8 =	simm.s32 @!p0 $0x1BF5;
	p2 =	por !p2, p0  }
0x20: {  	[sflag:s8] =	ssyncset.s32 @!p0 $0xFFFFF086;
	s6 =	sadd.s32 @!p0 s3, s7;
	s7 =	simm.s32 @!p0 $0x108  }
0x21: {  	s3 =	sadd.s32 s3, s9;
	s6 =	sadd.s32 @!p0 $0x88, s6;
	s7 =	simm.s32 @p2 $0x1082  }
0x22: {  	[simem:s7], [sflag:s8] =	dma.local @!p0 [hbm:s6], $0xF7A  }
0x23: {  	s9 =	sor.u32 $0xD0000000, s2;
	s6 =	simm.s32 $0x108;
	_ =	swait.ge @!p0 [sflag:s8], $0x0  }
0x24: {  	s3 =	sadd.s32 $0x88, s3;
	s6 =	simm.s32 @!p1 $0x1082;
	[sflag:s4] =	ssyncset.s32 $0xFFFFF086  }
0x25: {  	[simem:s6], [sflag:s4] =	dma.local [hbm:s3], $0xF7A  }
0x26: {  	[smem:$0x3F9E] =	sst s1;
	(tag) =	ssettag s2;
	_ =	strace s9  }
0x27: {  	s1 =	sld [smem:$0x3FAE]  }
0x28: {  	s2 =	sld [smem:$0x3FAF]  }
0x29: {  	s4 =	sld [smem:$0x3FB1]  }
0x2a: {  	p0 =	seq.s32 s5, $0x0;
	s5 =	sld [smem:$0x3FB2]  }
0x2b: {  	s6 =	sld [smem:$0x3FB3]  }
0x2c: {  	s7 =	sld [smem:$0x3FB4]  }
0x2d: {  	s3 =	simm.s32 $0x108;
	s8 =	sld [smem:$0x3FB5]  }
0x2e: {  	s3 =	simm.s32 @!p0 $0x1082;
	s9 =	sld [smem:$0x3FB6]  }
0x2f: {  	lr =	sadd.s32 s0, s3;
	s0 =	sld [smem:$0x3FAD]  }
0x30: {  	s3 =	sld [smem:$0x3FB0]  }
0x31: {  	[smem:$0x3FB9] =	sst s10  }
0x32: {  	s10 =	sld [smem:$0x3FB7];
	_ =	sdelay $0x3  }
0x33: {  	p0 =	seq.s32 s10, $0x1;
	s10 =	sld [smem:$0x3FB9];
	_ =	sdelay $0x3  }
0x34: {  	[smem:$0x3FB9] =	sst s10  }
0x35: {  	s10 =	sld [smem:$0x3FB8];
	_ =	sdelay $0x3  }
0x36: {  	p1 =	seq.s32 s10, $0x1;
	s10 =	sld [smem:$0x3FB9];
	_ =	sdelay $0x3  }
0x37: {  	[smem:$0x3FB9] =	sst s10  }
0x38: {  	s10 =	sld [smem:$0x3FBA]  }
0x39: {  	_ = 	snop;
	(pc) =	sbr.ind lr, $3  }
0x3a: {  	_ = 	snop  }
0x3b: {  	_ = 	snop  }
0x3c: {  	p2 =	seq.s32 s10, $0x1;
	s10 =	sld [smem:$0x3FB9]  }
0x3d: {  	_ =	shalt  }
0x3e: {  	_ =	shalt  }
0x3f: {  	_ =	shalt  }
0x40: {  	_ =	shalt  }
0x41: {  	_ =	shalt  }
0x42: {  	_ =	shalt  }
0x43: {  	_ =	shalt  }
0x44: {  	_ =	shalt  }
0x45: {  	_ =	shalt  }
0x46: {  	_ =	shalt  }
0x47: {  	_ =	shalt  }
0x48: {  	_ =	shalt  }
0x49: {  	_ =	shalt  }
0x4a: {  	_ =	shalt  }
0x4b: {  	_ =	shalt  }
0x4c: {  	_ =	shalt  }
0x4d: {  	_ =	shalt  }
0x4e: {  	_ =	shalt  }
0x4f: {  	_ =	shalt  }
0x50: {  	_ =	shalt  }
0x51: {  	_ =	shalt  }
0x52: {  	_ =	shalt  }
0x53: {  	_ =	shalt  }
0x54: {  	_ =	shalt  }
0x55: {  	_ =	shalt  }
0x56: {  	_ =	shalt  }
0x57: {  	_ =	shalt  }
0x58: {  	_ =	shalt  }
0x59: {  	_ =	shalt  }
0x5a: {  	_ =	shalt  }
0x5b: {  	_ =	shalt  }
0x5c: {  	_ =	shalt  }
0x5d: {  	_ =	shalt  }
0x5e: {  	_ =	shalt  }
0x5f: {  	_ =	shalt  }
0x60: {  	_ =	shalt  }
0x61: {  	_ =	shalt  }
0x62: {  	_ =	shalt  }
0x63: {  	_ =	shalt  }
0x64: {  	_ =	shalt  }
0x65: {  	_ =	shalt  }
0x66: {  	_ =	shalt  }
0x67: {  	_ =	shalt  }
0x68: {  	_ =	shalt  }
0x69: {  	_ =	shalt  }
0x6a: {  	_ =	shalt  }
0x6b: {  	_ =	shalt  }
0x6c: {  	_ =	shalt  }
0x6d: {  	_ =	shalt  }
0x6e: {  	_ =	shalt  }
0x6f: {  	_ =	shalt  }
0x70: {  	_ =	shalt  }
0x71: {  	_ =	shalt  }
0x72: {  	_ =	shalt  }
0x73: {  	_ =	shalt  }
0x74: {  	_ =	shalt  }
0x75: {  	_ =	shalt  }
0x76: {  	_ =	shalt  }
0x77: {  	_ =	shalt  }
0x78: {  	_ =	shalt  }
0x79: {  	_ =	shalt  }
0x7a: {  	_ =	shalt  }
0x7b: {  	_ =	shalt  }
0x7c: {  	_ =	shalt  }
0x7d: {  	_ =	shalt  }
0x7e: {  	_ =	shalt  }
0x7f: {  	_ =	shalt  }
0x80: {  	_ =	shalt  }
0x81: {  	_ =	shalt  }
0x82: {  	_ =	shalt  }
0x83: {  	_ =	shalt  }
0x84: {  	_ =	shalt  }
0x85: {  	_ =	shalt  }
0x86: {  	_ =	shalt  }
0x87: {  	_ =	shalt  }
.Lfunc_end0:
.L_simem_size_0:
called_computation_lowered:
.L_overlay_start_0:
0x88: {  	s2 =	sld [smem:$0x3FD9]  }
0x89: {  	s3 =	sld [smem:$0x3FFE];
	_ =	sdelay $0x1  }
0x8a: {  	s1 =	srdreg.scid  }
0x8b: {  	s0 =	sand.u32 $0x1, s1  }
0x8c: {  	s18 =	sshll.u32 s0, $0xA;
	s2 =	sadd.s32 s3, s2  }
0x8d: {  	s2 =	sadd.s32 s2, s18  }
0x8e: {  	[smem:$0x3FC5] =	sst s2  }
0x8f: {  	_ = 	snop  }
0x90: {  	s2 =	sld [smem:$0x3FC9]  }
0x91: {  	s19 =	sld [smem:$0x3FC8]  }
0x92: {  	s4 =	sld [smem:$0x3FC7]  }
0x93: {  	s5 =	sld [smem:$0x3FD0];
	(tm) =	ssettm $0x1  }
0x94: {  	s6 =	sld [smem:$0x3FFB];
	_ =	sdelay $0x3  }
0x95: {  	_ =	strace s6  }
0x96: {  	s6 =	sld [smem:$0x3FFC];
	_ =	sdelay $0x3  }
0x97: {  	_ =	strace s6  }
0x98: {  	s6 =	sld [smem:$0x3FFD];
	_ =	sdelay $0x3  }
0x99: {  	_ =	strace s6  }
0x9a: {  	_ =	strace $0x8FFFFFFF  }
0x9b: {  	s20 =	sld [smem:$0x3FDB];
	_ =	sdelay $0x1  }
0x9c: {  	s7 =	simm.s32 $_scs_section_size  }
0x9d: {  	s8 =	simm.s32 $_size__tile_overlayer_lowered;
	s9 =	simm.s32 $_tile_overlayer_lowered  }
0x9e: {  	s23 =	simm.s32 $0x1BFF;
	s22 =	sshll.u32 s9, $0x1;
	s6 =	sadd.s32 s7, s20  }
0x9f: {  	s10 =	simm.s32 $0x0;
	s21 =	sshll.u32 s8, $0x1;
	s8 =	sadd.s32 s22, s6  }
0xa0: {  	[timem:s10], [sflag:s23] =	dma.local [hbm:s8], s21  }
0xa1: {  	_ =	swait.ge [sflag:s23], s21  }
0xa2: {  	s7 =	ssub.s32 $0x0, s21;
	[sflag:s23] =	ssyncset.done $0x0  }
0xa3: {  	[sflag:s23] =	ssyncadd.s32 s7;
	_ =	sdelay $0x1  }
0xa4: {  	s24 =	simm.s32 $0x1B8B  }
0xa5: {  	_ =	swait.ge [sflag:s24], $0x1  }
0xa6: {  	[sflag:s24] =	ssyncset.done $0x0  }
0xa7: {  	s25 =	simm.s32 $0x1B8E;
	[sflag:s24] =	ssyncadd.s32 $0xFFFFFFFF  }
0xa8: {  	s26 =	simm.s32 $execute0_lowered;
	[smem:$0x3FD2] =	sst s25  }
0xa9: {  	s7 =	sshll.u32 s26, $0x1;
	_ =	strace $0x80000046;
	[dreg:$0x1] =	wrdreg $0xFFFFFFFF  }
0xaa: {  	s28 =	simm.s32 $_size_execute0_lowered;
	s6 =	sadd.s32 s6, s7;
	[dreg:$0x0] =	wrdreg $0x0  }
0xab: {  	s7 =	sshll.u32 s28, $0x1;
	[dreg:$0x2] =	wrdreg s6  }
0xac: {  	[dreg:$0x3] =	wrdreg s7  }
0xad: {  	[dreg:$0x4] =	wrdreg $0xC0  }
0xae: {  	_ =	task [dreg:s10], $0x5FFFF  }
0xaf: {  	[dreg:$0x1] =	wrdreg $0xFFFFFFFF  }
0xb0: {  	[dreg:$0x0] =	wrdreg $0x60  }
0xb1: {  	[dreg:$0x2] =	wrdreg s2  }
0xb2: {  	[dreg:$0x3] =	wrdreg s19  }
0xb3: {  	[dreg:$0x4] =	wrdreg s4  }
0xb4: {  	[dreg:$0x5] =	wrdreg s5  }
0xb5: {  	[dreg:$0x6] =	wrdreg $0xA3000  }
0xb6: {  	[dreg:$0x7] =	wrdreg $0x9  }
0xb7: {  	_ =	task.clear_ibuf [dreg:s10], $0x8FFFF;
	_ =	strace $0x90000046  }
0xb8: {  	s29 =	simm.s32 $0x9;
	_ =	strace $0x80000048  }
0xb9: {  	_ =	swait.ge [sflag:s29], $0x1  }
0xba: {  	[sflag:s29] =	ssyncadd.s32 $0xFFFFFFFF  }
0xbb: {  	_ =	strace $0x90000048  }
0xbc: {  	_ =	sfence  }
0xbd: {  	s30 =	sld [smem:$0x0];
	_ =	sdelay $0x2  }
0xbe: {  	s31 =	sshll.u32 s1, $0xD;
	s1 =	sshrl.u32 s1, $0x2  }
0xbf: {  	s3 =	sand.u32 $0x4000, s31;
	s1 =	sadd.s32 s1, s30  }
0xc0: {  	s0 =	sor.u32 s3, s0;
	s1 =	sshll.u32 s1, $0x11  }
0xc1: {  	s0 =	sor.u32 s1, s0  }
0xc2: {  	s0 =	sadd.s32 $0x8F2B, s0  }
0xc3: {  	[sflag:s0] =	ssyncadd.remote.s32 $0x1  }
0xc4: {  	_ =	sfence.sel $0xFFFF  }
0xc5: {  	[dreg:$0x0] =	wrdreg $0xFFFFFFFF;
	(pc) =	sbr.abs _section_cstart, $3  }
0xc6: {  	[dreg:$0x1] =	wrdreg $0xFFFFFFFF  }
0xc7: {  	_ =	task.clear_ibuf [dreg:s10], $0x2FFFF;
	_ =	strace $0x9FFFFFFF  }
0xc8: {  	(tm) =	ssettm $0x7FFFFFFF  }
0xc9: {  	_ =	shalt  }
tec
execute0_lowered:
.L_overlay_start_1:
0x0: {  	(tag) =	ssettag $0x1  }
0x1: {  	s0 =	rddreg [dreg:$0x0]  }
0x2: {  	s1 =	rddreg [dreg:$0x1]  }
0x3: {  	s2 =	rddreg [dreg:$0x2]  }
0x4: {  	s3 =	rddreg [dreg:$0x3]  }
0x5: {  	s4 =	rddreg [dreg:$0x4];
	s5 =	simm.s32 $0x0;
	s6 =	srdreg.scid  }
0x6: {  	s7 =	stileid.u32;
	s28 =	simm.s32 $0x3;
	s29 =	simm.s32 $0x1DB80  }
0x7: {  	s30 =	simm.s32 $0xA200;
	s31 =	simm.s32 $0x4;
	s10 =	smul.u32 $0x4E000, s7  }
0x8: {  	[smem:$0x7FF] =	sst s5;
	s6 =	sand.u32 $0x1, s6;
	s19 =	smul.u32 $0x2700, s7  }
0x9: {  	s11 =	sshll.u32 s7, $0x6;
	p0 =	sne.s32 s7, $0x0;
	_ =	strace $0x80000047  }
0xa: {  	s8 =	ssub.s32 $0x2, s6;
	s6 =	sshll.u32 s6, $0x4;
	s20 =	sor.u32 $0x1C07, s11  }
0xb: {  	s9 =	sshrl.u32 s8, $0x1;
	s6 =	sor.u32 s7, s6;
	s10 =	sshrl.u32 s10, $0x2  }
0xc: {  	[dreg:$0x7] =	wrdreg s20;
	s20 =	simm.s32 $0x100;
	s7 =	simm.s32 $0x6  }
0xd: {  	s8 =	ssub.s32 s8, s9;
	s6 =	smul.u32 $0x2710, s6;
	s9 =	sadd.s32 s0, s19  }
0xe: {  	s10 =	sadd.s32 s10, s4;
	s0 =	sadd.s32 $0x27000, s0;
	[dreg:$0x6] =	wrdreg s9  }
0xf: {  	s9 =	sadd.s32 $0x138000, s4;
	[dreg:$0x8] =	wrdreg s0;
	s25 =	smax.u32 s8, $0x1  }
0x10: {  	v0 =	vlaneseq.u32;
	s26 =	sshrl.u32 s10, $0x3;
	s10 =	simm.s32 $0x0;
	s21 =	sshrl.u32 s6, $0x3  }
0x11: {  	v0 =	vmul.u32 $0x80, v0;
	s14 =	sadd.s32 $0xA0, s6;
	s15 =	sadd.s32 $0xF0, s6;
	[dreg:$0xd] =	wrdreg s25  }
0x12: {  	[dreg:$0xe] =	wrdreg s26;
	s22 =	sadd.s32 s1, s21;
	s23 =	sadd.s32 s2, s21  }
.Ltmp0:
0x13: {  	v1 =	vor.u32 $0x1, v0;
	v2 =	vor.u32 $0x2, v0;
	v3 =	vor.u32 $0x3, v0;
	s0 =	sadd.s32 $0xA, s21;
	[dreg:$0x9] =	wrdreg s22;
	(pc) =	sbr.rel .LBB2_1-.Ltmp0, $4  }
0x14: {  	v4 =	vor.u32 $0x4, v0;
	v5 =	vor.u32 $0x5, v0;
	v6 =	vor.u32 $0x6, v0;
	s26 =	simm.s32 $0x5200;
	[dreg:$0xa] =	wrdreg s23;
	s24 =	sadd.s32 s1, s0  }
0x15: {  	v7 =	vor.u32 $0x7, v0;
	v8 =	vor.u32 $0x8, v0;
	v9 =	vor.u32 $0x9, v0;
	s0 =	sadd.s32 s2, s0;
	s23 =	simm.s32 $0x1;
	[dreg:$0xb] =	wrdreg s24  }
0x16: {  	v10 =	vor.u32 $0xA, v0;
	v11 =	vor.u32 $0xB, v0;
	v12 =	vor.u32 $0xC, v0;
	[dreg:$0xc] =	wrdreg s0;
	s0 =	sshrl.u32 @!p0 s9, $0x3;
	s24 =	simm.s32 $0x50  }
0x17: {  	v13 =	vor.u32 $0xD, v0;
	v14 =	vor.u32 $0xE, v0;
	v15 =	vor.u32 $0xF, v0;
	s9 =	simm.s32 $0x5;
	[dreg:$0xf] =	wrdreg s0;
	s0 =	simm.s32 $0xA280  }
.LBB2_21:
0x18: {  	_ =	swait.ge [sflag:s7], $0x50  }
0x19: {  	[sflag:s7] =	ssyncset.done $0x0  }
0x1a: {  	[sflag:s7] =	ssyncadd.s32 $0xFFFFFFB0  }
0x1b: {  	_ =	swait.ge [sflag:s9], $0x50  }
0x1c: {  	s10 =	sadd.s32 $0x1, s10;
	s8 =	rddreg [dreg:$0xd]  }
0x1d: {  	p1 =	sne.s32 s10, s8  }
.Ltmp1:
0x1e: {  	_ = 	snop;
	(pc) =	sbr.rel @!p1 .LBB2_22-.Ltmp1, $3  }
0x1f: {  	_ =	sdelay $0x1  }
0x20: {  	[sflag:s9] =	ssyncset.done $0x0  }
0x21: {  	[sflag:s9] =	ssyncadd.s32 $0xFFFFFFB0  }
.LBB2_1:
0x22: {  	s8 =	rddreg [dreg:$0x6]  }
0x23: {  	s11 =	rddreg [dreg:$0x7]  }
0x24: {  	s12 =	rddreg [dreg:$0xe];
	s13 =	simm.s32 $0x7  }
0x25: {  	[spmem:s12], [sflag:s11] =	dma.local [hbm:s8], $0x2700  }
0x26: {  	_ =	swait.ge [sflag:s13], $0x2700  }
0x27: {  	[sflag:s13] =	ssyncset.done $0x0;
	s8 =	rddreg [dreg:$0x8]  }
0x28: {  	s12 =	rddreg [dreg:$0xf];
	[sflag:s13] =	ssyncadd.s32 $0xFFFFD900  }
0x29: {  	[spmem:s12], [sflag:s11] =	dma.local @!p0 [hbm:s8], $0x100  }
0x2a: {  	s8 =	simm.s32 @!p0 $0x7  }
0x2b: {  	_ =	swait.ge @!p0 [sflag:s8], $0x100  }
0x2c: {  	[sflag:s8] =	ssyncset.done @!p0 $0x0  }
0x2d: {  	[sflag:s8] =	ssyncadd.s32 @!p0 $0xFFFFFF00  }
0x2e: {  	[bflag:$0x0] =	sbarrier.arrive $0xFFFF  }
0x2f: {  	s16 =	rddreg [dreg:$0x9]  }
0x30: {  	[tilespmem:s5], [sflag:$0x1] =	stream.linear.gather [hbm4b:s16+s5], $0x50, $0x38;
	[tilespmem:$0x1E380] =	vst v63  }
0x31: {  	s17 =	rddreg [dreg:$0xa]  }
0x32: {  	[tilespmem:s20], [sflag:$0x1] =	stream.linear.gather [hbm4b:s17+s5], $0x50, $0x38;
	[tilespmem:$0x1E380] =	vst v63  }
0x33: {  	s19 =	simm.s32 $0x80;
	s18 =	rddreg [dreg:$0xb]  }
0x34: {  	[tilespmem:s19], [sflag:$0x2] =	stream.linear.gather [hbm4b:s18+s5], $0x50, $0x38;
	[tilespmem:$0x1E380] =	vst v63  }
0x35: {  	s22 =	simm.s32 $0x180;
	s21 =	rddreg [dreg:$0xc]  }
0x36: {  	[tilespmem:s22], [sflag:$0x2] =	stream.linear.gather [hbm4b:s21+s5], $0x50, $0x38;
	[tilespmem:$0x1E380] =	vst v63  }
0x37: {  	_ =	swait.ge [sflag:s23], $0x50  }
0x38: {  	[sflag:s23] =	ssyncset.done $0x0  }
0x39: {  	[sflag:s23] =	ssyncadd.s32 $0xFFFFFFB0  }
0x3a: {  	_ =	swait.ge [sflag:s23], $0x50  }
.Ltmp2:
0x3b: {  	[sflag:s23] =	ssyncset.done $0x0;
	(pc) =	sbr.rel .LBB2_2-.Ltmp2, $4  }
0x3c: {  	s25 =	simm.s32 $0x200;
	[sflag:s23] =	ssyncadd.s32 $0xFFFFFFB0  }
0x3d: {  	[tilespmem:s25], [sflag:$0x3] =	stream.indirect.gather [spmem:s4], $0x80, s5, s24, $0xb8;
	[tilespmem:$0x1E380] =	vst v63  }
0x3e: {  	s11 =	simm.s32 $0x0  }
0x3f: {  	[tilespmem:s26], [sflag:$0x3] =	stream.indirect.gather [spmem:s4], $0x80, s20, s24, $0xb8;
	[tilespmem:$0x1E380] =	vst v63  }
.LBB2_20:
0x40: {  	s11 =	sadd.s32 $0x1, s11  }
0x41: {  	p1 =	sne.s32 s11, $0x3F  }
.Ltmp3:
0x42: {  	_ = 	snop;
	(pc) =	sbr.rel @!p1 .LBB2_21-.Ltmp3, $1  }
0x43: {  	_ =	sdelay $0x3  }
.LBB2_2:
0x44: {  	_ =	swait.ge [sflag:s28], $0x2800;
	p1 =	seq.s32 s11, $0x3E  }
0x45: {  	[sflag:s28] =	ssyncset.done $0x0;
	s8 =	smul.u32 @!p1 $0xA0, s11  }
0x46: {  	[sflag:s28] =	ssyncadd.s32 $0xFFFFD800  }
0x47: {  	_ =	swait.ge [sflag:s28], $0x2800;
	s8 =	sadd.s32 @!p1 s8, s14  }
0x48: {  	[sflag:s28] =	ssyncset.done $0x0;
	s8 =	sshrl.u32 @!p1 s8, $0x3  }
0x49: {  	s13 =	simm.s32 @!p1 $0x0;
	[sflag:s28] =	ssyncadd.s32 $0xFFFFD800;
	s12 =	sadd.s32 @!p1 s1, s8  }
0x4a: {  	[tilespmem:s13], [sflag:$0x1] =	stream.linear.gather @!p1 [hbm4b:s12+s13], $0x50, $0x38;
	[tilespmem:$0x1E380] =	vst v63  }
0x4b: {  	s8 =	sadd.s32 @!p1 s2, s8;
	s12 =	simm.s32 @!p1 $0x100  }
0x4c: {  	[tilespmem:s12], [sflag:$0x1] =	stream.linear.gather @!p1 [hbm4b:s8+s13], $0x50, $0x38;
	[tilespmem:$0x1E380] =	vst v63  }
0x4d: {  	s12 =	sshllo.u32 @!p1 s11, $0x1  }
0x4e: {  	p2 =	sgt.u32 @!p1 s12, $0x7C  }
0x4f: {  	p2 =	por p2, p1  }
0x50: {  	s8 =	simm.s32 @!p2 $0x2  }
0x51: {  	_ =	swait.ge @!p2 [sflag:s8], $0x50  }
0x52: {  	[sflag:s8] =	ssyncset.done @!p2 $0x0  }
0x53: {  	[sflag:s8] =	ssyncadd.s32 @!p2 $0xFFFFFFB0  }
0x54: {  	_ =	swait.ge @!p2 [sflag:s8], $0x50  }
0x55: {  	s13 =	simm.s32 @!p2 $0x80;
	[sflag:s8] =	ssyncset.done @!p2 $0x0  }
0x56: {  	s16 =	simm.s32 @!p2 $0x2A00;
	[sflag:s8] =	ssyncadd.s32 @!p2 $0xFFFFFFB0;
	s8 =	simm.s32 @!p2 $0x50  }
0x57: {  	[tilespmem:s16], [sflag:$0x4] =	stream.indirect.gather @!p2 [spmem:s4], $0x80, s13, s8, $0xb8;
	[tilespmem:$0x1E380] =	vst v63  }
0x58: {  	s13 =	simm.s32 @!p2 $0x180;
	s16 =	simm.s32 @!p2 $0x7A00  }
0x59: {  	[tilespmem:s16], [sflag:$0x4] =	stream.indirect.gather @!p2 [spmem:s4], $0x80, s13, s8, $0xb8;
	[tilespmem:$0x1E380] =	vst v63  }
0x5a: {  	p2 =	seq.s32 @!p1 s11, $0x0  }
0x5b: {  	p2 =	por p1, !p2  }
.Ltmp4:
0x5c: {  	_ = 	snop;
	(pc) =	sbr.rel @!p2 .LBB2_3-.Ltmp4, $2  }
0x5d: {  	_ =	sdelay $0x2  }
0x5e: {  	p3 =	slt.u32 @!p1 s12, $0x7D  }
.Ltmp5:
0x5f: {  	(pc) =	sbr.rel .LBB2_5-.Ltmp5, $4  }
0x60: {  	_ = 	snop  }
0x61: {  	p4 =	por $0x0, $0x0;
	_ =	swait.ge [sflag:s9], $0x50  }
0x62: {  	s12 =	simm.s32 @p1 $0x7D;
	p4 =	por @!p1 p3, p3;
	[sflag:s9] =	ssyncset.done $0x0  }
0x63: {  	p2 =	por $0x0, $0x0;
	[sflag:s9] =	ssyncadd.s32 $0xFFFFFFB0;
	p3 =	por p4, p4  }
.LBB2_3:
0x64: {  	p2 =	por @!p1 $0x1, $0x1  }
.LBB2_5:
0x65: {  	s13 =	simm.s32 $0x0;
	s25 =	simm.s32 $0x5280;
	s17 =	simm.s32 $0x280  }
.LBB2_6:
0x66: {  	v16 =	vld [tilespmem:s17+$0x0]  }
0x67: {  	v17 =	vld [tilespmem:s25+$0x0]  }
0x68: {  	v18 =	vld [tilespmem:s17+$0x10]  }
0x69: {  	v19 =	vld [tilespmem:s25+$0x10]  }
0x6a: {  	v20 =	vld [tilespmem:s17+$0x20]  }
0x6b: {  	v21 =	vld [tilespmem:s25+$0x20]  }
0x6c: {  	v22 =	vld [tilespmem:s17+$0x30]  }
0x6d: {  	v23 =	vld [tilespmem:s25+$0x30]  }
0x6e: {  	v24 =	vld [tilespmem:s17+$0x40]  }
0x6f: {  	v25 =	vld [tilespmem:s25+$0x40]  }
0x70: {  	v26 =	vld [tilespmem:s17+$0x50]  }
0x71: {  	v27 =	vld [tilespmem:s25+$0x50]  }
0x72: {  	v28 =	vld [tilespmem:s17+$0x60]  }
0x73: {  	v29 =	vld [tilespmem:s25+$0x60]  }
0x74: {  	v58 =	vld [tilespmem:s17+$0xFFFFFFA0];
	v16 =	vmul.f32 v17, v16;
	v17 =	vmul.f32 v19, v18  }
0x75: {  	v18 =	vld [tilespmem:s17+$0x70]  }
0x76: {  	v16 =	vadd.f32 v17, v16;
	v17 =	vmul.f32 v21, v20;
	v20 =	vld [tilespmem:s25+$0xFFFFFF80]  }
0x77: {  	v21 =	vld [tilespmem:s17+$0xFFFFFF90]  }
0x78: {  	v16 =	vadd.f32 v17, v16;
	v17 =	vmul.f32 v23, v22;
	v22 =	vld [tilespmem:s25+$0xFFFFFF90]  }
0x79: {  	v23 =	vld [tilespmem:s17+$0xFFFFFF80]  }
0x7a: {  	v19 =	vld [tilespmem:s25+$0x70];
	v16 =	vadd.f32 v17, v16;
	v17 =	vmul.f32 v25, v24  }
0x7b: {  	v59 =	vld [tilespmem:s25+$0xFFFFFFA0]  }
0x7c: {  	v60 =	vld [tilespmem:s17+$0xFFFFFFB0];
	v16 =	vadd.f32 v17, v16;
	v17 =	vmul.f32 v27, v26  }
0x7d: {  	v61 =	vld [tilespmem:s25+$0xFFFFFFB0];
	v21 =	vmul.f32 v22, v21  }
0x7e: {  	s19 =	sshll.u32 s13, $0x4;
	v62 =	vld [tilespmem:s17+$0xFFFFFFC0];
	v20 =	vmul.f32 v20, v23;
	v16 =	vadd.f32 v17, v16;
	v17 =	vmul.f32 v29, v28  }
0x7f: {  	s8 =	sadd.s32 $0x10, s19;
	s21 =	sadd.s32 $0x2, s19;
	v18 =	vmul.f32 v19, v18;
	v23 =	vld [tilespmem:s25+$0xFFFFFFC0]  }
0x80: {  	p4 =	slt.u32 s21, s8;
	v19 =	vld [tilespmem:s25+$0xFFFFFFD0];
	v20 =	vadd.f32 v21, v20;
	v21 =	vmul.f32 v59, v58;
	v22 =	vadd.f32 v17, v16  }
.Ltmp6:
0x81: {  	v16 =	vld [tilespmem:s17+$0xFFFFFFD0];
	(pc) =	sbr.rel @!p4 .LBB2_8-.Ltmp6, $4  }
0x82: {  	v63 =	vmul.f32 v61, v60;
	v17 =	vld [tilespmem:s17+$0xFFFFFFE0];
	v21 =	vadd.f32 v21, v20;
	v22 =	vadd.f32 v18, v22  }
0x83: {  	s18 =	simm.s32 $0x1DC00;
	v20 =	vld [tilespmem:s25+$0xFFFFFFE0]  }
0x84: {  	v18 =	vld [tilespmem:s17+$0xFFFFFFF0];
	v23 =	vmul.f32 v23, v62;
	[tilespmem:s18+$0x0] =	vst v22;
	v22 =	vadd.f32 v63, v21  }
0x85: {  	s22 =	sadd.s32 $0x100, s17;
	s16 =	smov.u32 s25;
	v21 =	vld [tilespmem:s25+$0xFFFFFFF0]  }
.LBB2_7:
0x86: {  	v24 =	vld [tilespmem:s22+$0x0];
	v22 =	vadd.f32 v23, v22;
	v16 =	vmul.f32 v19, v16;
	s16 =	sadd.s32 $0x100, s16  }
0x87: {  	v19 =	vld [tilespmem:s16+$0x0]  }
0x88: {  	v23 =	vld [tilespmem:s22+$0x10];
	v16 =	vadd.f32 v16, v22;
	v17 =	vmul.f32 v20, v17  }
0x89: {  	s21 =	sadd.s32 $0x2, s21;
	v20 =	vld [tilespmem:s16+$0x10]  }
0x8a: {  	p4 =	slt.u32 s21, s8;
	v22 =	vld [tilespmem:s22+$0x20];
	v16 =	vadd.f32 v17, v16;
	v17 =	vmul.f32 v21, v18  }
0x8b: {  	v18 =	vld [tilespmem:s16+$0x20]  }
0x8c: {  	v21 =	vld [tilespmem:s22+$0x30];
	v16 =	vadd.f32 v17, v16  }
0x8d: {  	v17 =	vld [tilespmem:s16+$0x30]  }
0x8e: {  	v19 =	vmul.f32 v19, v24;
	v20 =	vmul.f32 v20, v23;
	v23 =	vld [tilespmem:s22+$0x40];
	[tilespmem:s18+$0xFFFFFF80] =	vst v16  }
0x8f: {  	v16 =	vld [tilespmem:s16+$0x40]  }
0x90: {  	v19 =	vadd.f32 v20, v19;
	v18 =	vmul.f32 v18, v22;
	v20 =	vld [tilespmem:s22+$0x50]  }
0x91: {  	v22 =	vld [tilespmem:s16+$0x50]  }
0x92: {  	v18 =	vadd.f32 v18, v19;
	v17 =	vmul.f32 v17, v21;
	v19 =	vld [tilespmem:s22+$0x60]  }
0x93: {  	v21 =	vld [tilespmem:s16+$0x60]  }
0x94: {  	v17 =	vadd.f32 v17, v18;
	v16 =	vmul.f32 v16, v23;
	v18 =	vld [tilespmem:s22+$0x70]  }
0x95: {  	v23 =	vld [tilespmem:s16+$0x70]  }
0x96: {  	v24 =	vld [tilespmem:s16+$0xFFFFFF80];
	v16 =	vadd.f32 v16, v17;
	v17 =	vmul.f32 v22, v20  }
0x97: {  	v20 =	vld [tilespmem:s22+$0xFFFFFF90]  }
0x98: {  	v22 =	vld [tilespmem:s16+$0xFFFFFF90];
	v16 =	vadd.f32 v17, v16;
	v17 =	vmul.f32 v21, v19  }
0x99: {  	v19 =	vld [tilespmem:s22+$0xFFFFFF80]  }
0x9a: {  	v21 =	vld [tilespmem:s22+$0xFFFFFFA0];
	v16 =	vadd.f32 v17, v16;
	v17 =	vmul.f32 v23, v18  }
0x9b: {  	v18 =	vld [tilespmem:s16+$0xFFFFFFA0]  }
0x9c: {  	v23 =	vld [tilespmem:s22+$0xFFFFFFB0];
	v16 =	vadd.f32 v17, v16  }
0x9d: {  	s18 =	sadd.s32 $0x100, s18;
	v17 =	vmul.f32 v22, v20;
	v20 =	vld [tilespmem:s16+$0xFFFFFFB0]  }
0x9e: {  	v19 =	vmul.f32 v24, v19;
	v24 =	vld [tilespmem:s22+$0xFFFFFFC0];
	[tilespmem:s18+$0x0] =	vst v16  }
0x9f: {  	v25 =	vld [tilespmem:s16+$0xFFFFFFC0]  }
0xa0: {  	v17 =	vadd.f32 v17, v19;
	v18 =	vmul.f32 v18, v21;
	v16 =	vld [tilespmem:s22+$0xFFFFFFD0]  }
.Ltmp7:
0xa1: {  	v19 =	vld [tilespmem:s16+$0xFFFFFFD0];
	(pc) =	sbr.rel @p4 .LBB2_7-.Ltmp7, $4  }
0xa2: {  	v18 =	vadd.f32 v18, v17;
	v21 =	vmul.f32 v20, v23;
	v17 =	vld [tilespmem:s22+$0xFFFFFFE0]  }
0xa3: {  	v20 =	vld [tilespmem:s16+$0xFFFFFFE0]  }
0xa4: {  	v22 =	vadd.f32 v21, v18;
	v23 =	vmul.f32 v25, v24;
	v18 =	vld [tilespmem:s22+$0xFFFFFFF0]  }
0xa5: {  	s22 =	sadd.s32 $0x100, s22;
	v21 =	vld [tilespmem:s16+$0xFFFFFFF0]  }
.LBB2_8:
0xa6: {  	v22 =	vadd.f32 v23, v22;
	v16 =	vmul.f32 v19, v16;
	_ =	sdelay $0x1  }
0xa7: {  	v16 =	vadd.f32 v16, v22;
	v17 =	vmul.f32 v20, v17;
	_ =	sdelay $0x1  }
0xa8: {  	v16 =	vadd.f32 v17, v16;
	v17 =	vmul.f32 v21, v18;
	_ =	sdelay $0x1  }
0xa9: {  	v16 =	vadd.f32 v17, v16;
	_ =	sdelay $0x1  }
0xaa: {  	[tilespmem:s18+$0xFFFFFF80] =	vst v16  }
0xab: {  	v16 =	vld.idx.msk [tilespmem:v0+s29+$0x0], $0xffff  }
0xac: {  	v17 =	vld.idx.msk [tilespmem:v1+s29+$0x0], $0xffff  }
0xad: {  	v50 =	vld.idx.msk [tilespmem:v2+s29+$0x0], $0xffff  }
0xae: {  	v51 =	vld.idx.msk [tilespmem:v3+s29+$0x0], $0xffff  }
0xaf: {  	v52 =	vld.idx.msk [tilespmem:v4+s29+$0x0], $0xffff  }
0xb0: {  	v53 =	vld.idx.msk [tilespmem:v5+s29+$0x0], $0xffff  }
0xb1: {  	v54 =	vld.idx.msk [tilespmem:v6+s29+$0x0], $0xffff  }
0xb2: {  	v55 =	vld.idx.msk [tilespmem:v7+s29+$0x0], $0xffff  }
0xb3: {  	v24 =	vld.idx.msk [tilespmem:v8+s29+$0x0], $0xffff  }
0xb4: {  	v25 =	vld.idx.msk [tilespmem:v9+s29+$0x0], $0xffff  }
0xb5: {  	v26 =	vld.idx.msk [tilespmem:v10+s29+$0x0], $0xffff  }
0xb6: {  	v27 =	vld.idx.msk [tilespmem:v11+s29+$0x0], $0xffff  }
0xb7: {  	v28 =	vld.idx.msk [tilespmem:v12+s29+$0x0], $0xffff  }
0xb8: {  	v29 =	vld.idx.msk [tilespmem:v13+s29+$0x0], $0xffff  }
0xb9: {  	v30 =	vld.idx.msk [tilespmem:v14+s29+$0x0], $0xffff  }
0xba: {  	v31 =	vld.idx.msk [tilespmem:v15+s29+$0x0], $0xffff;
	_ =	sdelay $0x1  }
0xbb: {  	v16 =	vadd.f32 v17, v16;
	v17 =	vadd.f32 v51, v50  }
0xbc: {  	v56 =	vadd.f32 v53, v52;
	v57 =	vadd.f32 v55, v54  }
0xbd: {  	v58 =	vadd.f32 v25, v24;
	v59 =	vadd.f32 v27, v26  }
0xbe: {  	v60 =	vadd.f32 v29, v28;
	v61 =	vadd.f32 v31, v30  }
0xbf: {  	v16 =	vadd.f32 v17, v16;
	v17 =	vadd.f32 v57, v56  }
0xc0: {  	v62 =	vadd.f32 v59, v58;
	v63 =	vadd.f32 v61, v60;
	_ =	sdelay $0x1  }
0xc1: {  	v16 =	vadd.f32 v17, v16;
	v17 =	vadd.f32 v63, v62;
	_ =	sdelay $0x1  }
0xc2: {  	v16 =	vadd.f32 v17, v16;
	_ =	sdelay $0x1  }
0xc3: {  	v16 =	vsub.f32 $0.0e+00, v16;
	_ =	sdelay $0x1  }
0xc4: {  	v16 =	vmul.f32 $1.442695020e+00, v16;
	_ =	sdelay $0x1  }
0xc5: {  	(erf) = vpow2.f32 v16;
	_ =	sdelay $0x8  }
0xc6: {  	v16 =	vpop (erf)  }
0xc7: {  	v16 =	vadd.f32 $1.000000000e+00, v16;
	_ =	sdelay $0x1  }
0xc8: {  	(erf) = vrcp.f32 v16;
	_ =	sdelay $0x3  }
0xc9: {  	s13 =	sadd.s32 $0x1, s13  }
0xca: {  	p4 =	seq.s32 s13, $0x5  }
.Ltmp8:
0xcb: {  	_ = 	snop;
	(pc) =	sbr.rel @!p4 .LBB2_6-.Ltmp8, $3  }
0xcc: {  	_ =	sdelay $0x1  }
0xcd: {  	v16 =	vpop (erf)  }
0xce: {  	s25 =	sadd.s32 $0x800, s25;
	s17 =	sadd.s32 $0x800, s17;
	[tilespmem:s19+$0xA200] =	vst v16  }
0xcf: {  	s8 =	smul.u32 $0xA0, s11  }
.Ltmp9:
0xd0: {  	_ = 	snop;
	(pc) =	sbr.rel @!p3 .LBB2_20-.Ltmp9, $4  }
0xd1: {  	s13 =	sadd.s32 s6, s8  }
0xd2: {  	s13 =	sshrl.u32 s13, $0x3  }
0xd3: {  	s13 =	sadd.s32 s3, s13  }
0xd4: {  	[hbm4b:s13+s5] =	stream.linear.scatter [tilespmem:s30], [sflag:$0x5], $0x50, $0x38;
	[tilespmem:$0x1E380] =	vst v63  }
0xd5: {  	_ =	swait.ge [sflag:s31], $0x2800;
	p3 =	sgt.u32 s11, $0x3C  }
.Ltmp10:
0xd6: {  	[sflag:s31] =	ssyncset.done $0x0;
	(pc) =	sbr.rel @p3 .LBB2_12-.Ltmp10, $4  }
0xd7: {  	[sflag:s31] =	ssyncadd.s32 $0xFFFFD800  }
0xd8: {  	_ =	swait.ge [sflag:s31], $0x2800  }
0xd9: {  	[sflag:s31] =	ssyncset.done $0x0  }
0xda: {  	[sflag:s31] =	ssyncadd.s32 $0xFFFFD800  }
0xdb: {  	s8 =	sadd.s32 s8, s15  }
.Ltmp11:
0xdc: {  	s8 =	sshrl.u32 s8, $0x3;
	(pc) =	sbr.rel .LBB2_13-.Ltmp11, $4  }
0xdd: {  	s16 =	simm.s32 $0x80;
	s13 =	sadd.s32 s1, s8  }
0xde: {  	[tilespmem:s16], [sflag:$0x2] =	stream.linear.gather [hbm4b:s13+s5], $0x50, $0x38;
	[tilespmem:$0x1E380] =	vst v63  }
0xdf: {  	s25 =	simm.s32 $0x180;
	s8 =	sadd.s32 s2, s8  }
0xe0: {  	[tilespmem:s25], [sflag:$0x2] =	stream.linear.gather [hbm4b:s8+s5], $0x50, $0x38;
	[tilespmem:$0x1E380] =	vst v63  }
.LBB2_12:
.Ltmp12:
0xe1: {  	(pc) =	sbr.rel @p1 .LBB2_14-.Ltmp12, $1  }
0xe2: {  	_ =	sdelay $0x3  }
.LBB2_13:
0xe3: {  	_ =	swait.ge [sflag:s23], $0x50  }
0xe4: {  	[sflag:s23] =	ssyncset.done $0x0  }
0xe5: {  	[sflag:s23] =	ssyncadd.s32 $0xFFFFFFB0  }
0xe6: {  	_ =	swait.ge [sflag:s23], $0x50  }
.Ltmp13:
0xe7: {  	[sflag:s23] =	ssyncset.done $0x0;
	(pc) =	sbr.rel @p2 .LBB2_15-.Ltmp13, $4  }
0xe8: {  	s8 =	simm.s32 $0x200;
	[sflag:s23] =	ssyncadd.s32 $0xFFFFFFB0  }
0xe9: {  	[tilespmem:s8], [sflag:$0x3] =	stream.indirect.gather [spmem:s4], $0x80, s5, s24, $0xb8;
	[tilespmem:$0x1E380] =	vst v63  }
0xea: {  	_ = 	snop  }
0xeb: {  	[tilespmem:s26], [sflag:$0x3] =	stream.indirect.gather [spmem:s4], $0x80, s20, s24, $0xb8;
	[tilespmem:$0x1E380] =	vst v63  }
.LBB2_14:
0xec: {  	_ =	swait.ge [sflag:s7], $0x50  }
0xed: {  	[sflag:s7] =	ssyncset.done $0x0  }
0xee: {  	[sflag:s7] =	ssyncadd.s32 $0xFFFFFFB0  }
.LBB2_15:
0xef: {  	s13 =	simm.s32 $0x0;
	s16 =	simm.s32 $0x7A80;
	s17 =	simm.s32 $0x2A80  }
.LBB2_16:
0xf0: {  	v16 =	vld [tilespmem:s17+$0x0]  }
0xf1: {  	v17 =	vld [tilespmem:s16+$0x0]  }
0xf2: {  	v18 =	vld [tilespmem:s17+$0x10]  }
0xf3: {  	v19 =	vld [tilespmem:s16+$0x10]  }
0xf4: {  	v20 =	vld [tilespmem:s17+$0x20]  }
0xf5: {  	v21 =	vld [tilespmem:s16+$0x20]  }
0xf6: {  	v22 =	vld [tilespmem:s17+$0x30]  }
0xf7: {  	v23 =	vld [tilespmem:s16+$0x30]  }
0xf8: {  	v24 =	vld [tilespmem:s17+$0x40]  }
0xf9: {  	v25 =	vld [tilespmem:s16+$0x40]  }
0xfa: {  	v26 =	vld [tilespmem:s17+$0x50]  }
0xfb: {  	v27 =	vld [tilespmem:s16+$0x50]  }
0xfc: {  	v28 =	vld [tilespmem:s17+$0x60]  }
0xfd: {  	v29 =	vld [tilespmem:s16+$0x60]  }
0xfe: {  	v58 =	vld [tilespmem:s17+$0xFFFFFFA0];
	v16 =	vmul.f32 v17, v16;
	v17 =	vmul.f32 v19, v18  }
0xff: {  	v18 =	vld [tilespmem:s17+$0x70]  }
0x100: {  	v16 =	vadd.f32 v17, v16;
	v17 =	vmul.f32 v21, v20;
	v20 =	vld [tilespmem:s16+$0xFFFFFF80]  }
0x101: {  	v21 =	vld [tilespmem:s17+$0xFFFFFF90]  }
0x102: {  	v16 =	vadd.f32 v17, v16;
	v17 =	vmul.f32 v23, v22;
	v22 =	vld [tilespmem:s16+$0xFFFFFF90]  }
0x103: {  	v23 =	vld [tilespmem:s17+$0xFFFFFF80]  }
0x104: {  	v19 =	vld [tilespmem:s16+$0x70];
	v16 =	vadd.f32 v17, v16;
	v17 =	vmul.f32 v25, v24  }
0x105: {  	v59 =	vld [tilespmem:s16+$0xFFFFFFA0]  }
0x106: {  	v60 =	vld [tilespmem:s17+$0xFFFFFFB0];
	v16 =	vadd.f32 v17, v16;
	v17 =	vmul.f32 v27, v26  }
0x107: {  	v61 =	vld [tilespmem:s16+$0xFFFFFFB0];
	v21 =	vmul.f32 v22, v21  }
0x108: {  	s19 =	sshll.u32 s13, $0x4;
	v62 =	vld [tilespmem:s17+$0xFFFFFFC0];
	v20 =	vmul.f32 v20, v23;
	v16 =	vadd.f32 v17, v16;
	v17 =	vmul.f32 v29, v28  }
0x109: {  	s8 =	sadd.s32 $0x10, s19;
	s21 =	sadd.s32 $0x2, s19;
	v18 =	vmul.f32 v19, v18;
	v23 =	vld [tilespmem:s16+$0xFFFFFFC0]  }
0x10a: {  	p1 =	slt.u32 s21, s8;
	v19 =	vld [tilespmem:s16+$0xFFFFFFD0];
	v20 =	vadd.f32 v21, v20;
	v21 =	vmul.f32 v59, v58;
	v22 =	vadd.f32 v17, v16  }
.Ltmp14:
0x10b: {  	v16 =	vld [tilespmem:s17+$0xFFFFFFD0];
	(pc) =	sbr.rel @!p1 .LBB2_18-.Ltmp14, $4  }
0x10c: {  	v63 =	vmul.f32 v61, v60;
	v17 =	vld [tilespmem:s17+$0xFFFFFFE0];
	v21 =	vadd.f32 v21, v20;
	v22 =	vadd.f32 v18, v22  }
0x10d: {  	s18 =	simm.s32 $0x1DC00;
	v20 =	vld [tilespmem:s16+$0xFFFFFFE0]  }
0x10e: {  	v18 =	vld [tilespmem:s17+$0xFFFFFFF0];
	v23 =	vmul.f32 v23, v62;
	[tilespmem:s18+$0x0] =	vst v22;
	v22 =	vadd.f32 v63, v21  }
0x10f: {  	s22 =	sadd.s32 $0x100, s17;
	s25 =	smov.u32 s16;
	v21 =	vld [tilespmem:s16+$0xFFFFFFF0]  }
.LBB2_17:
0x110: {  	v24 =	vld [tilespmem:s22+$0x0];
	v22 =	vadd.f32 v23, v22;
	v16 =	vmul.f32 v19, v16;
	s25 =	sadd.s32 $0x100, s25  }
0x111: {  	v19 =	vld [tilespmem:s25+$0x0]  }
0x112: {  	v23 =	vld [tilespmem:s22+$0x10];
	v16 =	vadd.f32 v16, v22;
	v17 =	vmul.f32 v20, v17  }
0x113: {  	s21 =	sadd.s32 $0x2, s21;
	v20 =	vld [tilespmem:s25+$0x10]  }
0x114: {  	p1 =	slt.u32 s21, s8;
	v22 =	vld [tilespmem:s22+$0x20];
	v16 =	vadd.f32 v17, v16;
	v17 =	vmul.f32 v21, v18  }
0x115: {  	v18 =	vld [tilespmem:s25+$0x20]  }
0x116: {  	v21 =	vld [tilespmem:s22+$0x30];
	v16 =	vadd.f32 v17, v16  }
0x117: {  	v17 =	vld [tilespmem:s25+$0x30]  }
0x118: {  	v19 =	vmul.f32 v19, v24;
	v20 =	vmul.f32 v20, v23;
	v23 =	vld [tilespmem:s22+$0x40];
	[tilespmem:s18+$0xFFFFFF80] =	vst v16  }
0x119: {  	v16 =	vld [tilespmem:s25+$0x40]  }
0x11a: {  	v19 =	vadd.f32 v20, v19;
	v18 =	vmul.f32 v18, v22;
	v20 =	vld [tilespmem:s22+$0x50]  }
0x11b: {  	v22 =	vld [tilespmem:s25+$0x50]  }
0x11c: {  	v18 =	vadd.f32 v18, v19;
	v17 =	vmul.f32 v17, v21;
	v19 =	vld [tilespmem:s22+$0x60]  }
0x11d: {  	v21 =	vld [tilespmem:s25+$0x60]  }
0x11e: {  	v17 =	vadd.f32 v17, v18;
	v16 =	vmul.f32 v16, v23;
	v18 =	vld [tilespmem:s22+$0x70]  }
0x11f: {  	v23 =	vld [tilespmem:s25+$0x70]  }
0x120: {  	v24 =	vld [tilespmem:s25+$0xFFFFFF80];
	v16 =	vadd.f32 v16, v17;
	v17 =	vmul.f32 v22, v20  }
0x121: {  	v20 =	vld [tilespmem:s22+$0xFFFFFF90]  }
0x122: {  	v22 =	vld [tilespmem:s25+$0xFFFFFF90];
	v16 =	vadd.f32 v17, v16;
	v17 =	vmul.f32 v21, v19  }
0x123: {  	v19 =	vld [tilespmem:s22+$0xFFFFFF80]  }
0x124: {  	v21 =	vld [tilespmem:s22+$0xFFFFFFA0];
	v16 =	vadd.f32 v17, v16;
	v17 =	vmul.f32 v23, v18  }
0x125: {  	v18 =	vld [tilespmem:s25+$0xFFFFFFA0]  }
0x126: {  	v23 =	vld [tilespmem:s22+$0xFFFFFFB0];
	v16 =	vadd.f32 v17, v16  }
0x127: {  	s18 =	sadd.s32 $0x100, s18;
	v17 =	vmul.f32 v22, v20;
	v20 =	vld [tilespmem:s25+$0xFFFFFFB0]  }
0x128: {  	v19 =	vmul.f32 v24, v19;
	v24 =	vld [tilespmem:s22+$0xFFFFFFC0];
	[tilespmem:s18+$0x0] =	vst v16  }
0x129: {  	v25 =	vld [tilespmem:s25+$0xFFFFFFC0]  }
0x12a: {  	v17 =	vadd.f32 v17, v19;
	v18 =	vmul.f32 v18, v21;
	v16 =	vld [tilespmem:s22+$0xFFFFFFD0]  }
.Ltmp15:
0x12b: {  	v19 =	vld [tilespmem:s25+$0xFFFFFFD0];
	(pc) =	sbr.rel @p1 .LBB2_17-.Ltmp15, $4  }
0x12c: {  	v18 =	vadd.f32 v18, v17;
	v21 =	vmul.f32 v20, v23;
	v17 =	vld [tilespmem:s22+$0xFFFFFFE0]  }
0x12d: {  	v20 =	vld [tilespmem:s25+$0xFFFFFFE0]  }
0x12e: {  	v22 =	vadd.f32 v21, v18;
	v23 =	vmul.f32 v25, v24;
	v18 =	vld [tilespmem:s22+$0xFFFFFFF0]  }
0x12f: {  	s22 =	sadd.s32 $0x100, s22;
	v21 =	vld [tilespmem:s25+$0xFFFFFFF0]  }
.LBB2_18:
0x130: {  	v22 =	vadd.f32 v23, v22;
	v16 =	vmul.f32 v19, v16;
	_ =	sdelay $0x1  }
0x131: {  	v16 =	vadd.f32 v16, v22;
	v17 =	vmul.f32 v20, v17;
	_ =	sdelay $0x1  }
0x132: {  	v16 =	vadd.f32 v17, v16;
	v17 =	vmul.f32 v21, v18;
	_ =	sdelay $0x1  }
0x133: {  	v16 =	vadd.f32 v17, v16;
	_ =	sdelay $0x1  }
0x134: {  	[tilespmem:s18+$0xFFFFFF80] =	vst v16  }
0x135: {  	v16 =	vld.idx.msk [tilespmem:v0+s29+$0x0], $0xffff  }
0x136: {  	v17 =	vld.idx.msk [tilespmem:v1+s29+$0x0], $0xffff  }
0x137: {  	v50 =	vld.idx.msk [tilespmem:v2+s29+$0x0], $0xffff  }
0x138: {  	v51 =	vld.idx.msk [tilespmem:v3+s29+$0x0], $0xffff  }
0x139: {  	v52 =	vld.idx.msk [tilespmem:v4+s29+$0x0], $0xffff  }
0x13a: {  	v53 =	vld.idx.msk [tilespmem:v5+s29+$0x0], $0xffff  }
0x13b: {  	v54 =	vld.idx.msk [tilespmem:v6+s29+$0x0], $0xffff  }
0x13c: {  	v55 =	vld.idx.msk [tilespmem:v7+s29+$0x0], $0xffff  }
0x13d: {  	v24 =	vld.idx.msk [tilespmem:v8+s29+$0x0], $0xffff  }
0x13e: {  	v25 =	vld.idx.msk [tilespmem:v9+s29+$0x0], $0xffff  }
0x13f: {  	v26 =	vld.idx.msk [tilespmem:v10+s29+$0x0], $0xffff  }
0x140: {  	v27 =	vld.idx.msk [tilespmem:v11+s29+$0x0], $0xffff  }
0x141: {  	v28 =	vld.idx.msk [tilespmem:v12+s29+$0x0], $0xffff  }
0x142: {  	v29 =	vld.idx.msk [tilespmem:v13+s29+$0x0], $0xffff  }
0x143: {  	v30 =	vld.idx.msk [tilespmem:v14+s29+$0x0], $0xffff  }
0x144: {  	v31 =	vld.idx.msk [tilespmem:v15+s29+$0x0], $0xffff;
	_ =	sdelay $0x1  }
0x145: {  	v16 =	vadd.f32 v17, v16;
	v17 =	vadd.f32 v51, v50  }
0x146: {  	v56 =	vadd.f32 v53, v52;
	v57 =	vadd.f32 v55, v54  }
0x147: {  	v58 =	vadd.f32 v25, v24;
	v59 =	vadd.f32 v27, v26  }
0x148: {  	v60 =	vadd.f32 v29, v28;
	v61 =	vadd.f32 v31, v30  }
0x149: {  	v16 =	vadd.f32 v17, v16;
	v17 =	vadd.f32 v57, v56  }
0x14a: {  	v62 =	vadd.f32 v59, v58;
	v63 =	vadd.f32 v61, v60;
	_ =	sdelay $0x1  }
0x14b: {  	v16 =	vadd.f32 v17, v16;
	v17 =	vadd.f32 v63, v62;
	_ =	sdelay $0x1  }
0x14c: {  	v16 =	vadd.f32 v17, v16;
	_ =	sdelay $0x1  }
0x14d: {  	v16 =	vsub.f32 $0.0e+00, v16;
	_ =	sdelay $0x1  }
0x14e: {  	v16 =	vmul.f32 $1.442695020e+00, v16;
	_ =	sdelay $0x1  }
0x14f: {  	(erf) = vpow2.f32 v16;
	_ =	sdelay $0x8  }
0x150: {  	v16 =	vpop (erf)  }
0x151: {  	v16 =	vadd.f32 $1.000000000e+00, v16;
	_ =	sdelay $0x1  }
0x152: {  	(erf) = vrcp.f32 v16;
	_ =	sdelay $0x3  }
0x153: {  	s13 =	sadd.s32 $0x1, s13  }
0x154: {  	p1 =	seq.s32 s13, $0x5  }
.Ltmp16:
0x155: {  	_ = 	snop;
	(pc) =	sbr.rel @!p1 .LBB2_16-.Ltmp16, $3  }
0x156: {  	_ =	sdelay $0x1  }
0x157: {  	v16 =	vpop (erf)  }
0x158: {  	s16 =	sadd.s32 $0x800, s16;
	s17 =	sadd.s32 $0x800, s17;
	[tilespmem:s19+$0xA280] =	vst v16  }
0x159: {  	s8 =	smul.u32 $0x50, s12  }
.Ltmp17:
0x15a: {  	_ = 	snop;
	(pc) =	sbr.rel .LBB2_20-.Ltmp17, $4  }
0x15b: {  	s8 =	sadd.s32 s6, s8  }
0x15c: {  	s8 =	sshrl.u32 s8, $0x3  }
0x15d: {  	s8 =	sadd.s32 s3, s8  }
0x15e: {  	[hbm4b:s8+s5] =	stream.linear.scatter [tilespmem:s0], [sflag:$0x6], $0x50, $0x38;
	[tilespmem:$0x1E380] =	vst v63  }
.LBB2_22:
0x15f: {  	_ =	sfence.sel $0x180000  }
0x160: {  	[bflag:$0x0] =	sbarrier.arrive $0xFFFF  }
0x161: {  	_ =	strace $0x90000047  }
0x162: {  	[bflag:$0x2] =	sbarrier.arrive $0xFFFF  }
0x163: {  	s0 =	rddreg [dreg:$0x5]  }
0x164: {  	s0 =	sadd.s32 @!p0 $0x100000, s0  }
0x165: {  	[sflag:s0] =	ssyncadd.tile.s32 @!p0 $0x1;
	_ =	shalt  }
.Lfunc_end2:
_tile_overlayer_lowered:
.L_overlay_start_2:
0x166: {  	(tag) =	ssettag $0x2  }
0x167: {  	s0 =	rddreg [dreg:$0x0];
	s2 =	stileid.u32  }
0x168: {  	s1 =	rddreg [dreg:$0x1];
	p0 =	sne.s32 s2, $0x0  }
0x169: {  	s3 =	rddreg [dreg:$0x2];
	[bflag:$0x3] =	sbarrier.arrive $0xFFFF;
	s2 =	simm.s32 @!p0 $0x1C07  }
0x16a: {  	[timem:s3], [sflag:s2] =	dma.local @!p0 [hbm:s0], s1  }
0x16b: {  	s0 =	simm.s32 @!p0 $0x7  }
0x16c: {  	_ =	swait.ge @!p0 [sflag:s0], s1  }
0x16d: {  	s1 =	ssub.s32 @!p0 $0x0, s1;
	[sflag:s0] =	ssyncset.done @!p0 $0x0  }
0x16e: {  	[sflag:s0] =	ssyncadd.s32 @!p0 s1  }
0x16f: {  	[bflag:$0x3] =	sbarrier.arrive $0xFFFF  }
0x170: {  	_ =	shalt  }

</sc_bundles>
